<compile_context>
chip_gen: v7x
topology: tpu7x:2x2x1
jax: 0.10.2.dev20260603
libtpu: 0.0.44.dev20260713+nightly
codegen_flags: <defaults>
</compile_context>

<pallas_src>
import functools

import jax
import jax.numpy as jnp
from jax import lax
from jax.experimental import pallas as pl
from jax.experimental.pallas import tpu as pltpu
from jax.experimental.pallas import tpu_sc as plsc

SEQ = 200
BATCH = 4096
EMBED = 64
OUT = 32
VOCAB = 1000000
VPAD = 1000064
NBLK_FULL = 7812


def _make_sc_stage(num_cores, num_subcores):
    nw = num_cores * num_subcores
    mesh = plsc.VectorSubcoreMesh(
        core_axis_name="c", subcore_axis_name="s",
        num_cores=num_cores, num_subcores=num_subcores)

    @functools.partial(
        pl.kernel,
        mesh=mesh,
        out_type=jax.ShapeDtypeStruct((VPAD, 2 * EMBED), jnp.float32),
        scratch_types=[
            pltpu.VMEM((EMBED, 128), jnp.float32),
            pltpu.VMEM((EMBED, 128), jnp.float32),
            pltpu.VMEM((EMBED, 128), jnp.float32),
            pltpu.VMEM((EMBED, 128), jnp.float32),
            pltpu.VMEM((128, 2 * EMBED), jnp.float32),
            pltpu.VMEM((128, 2 * EMBED), jnp.float32),
            pltpu.VMEM((128, 2 * EMBED), jnp.float32),
            pltpu.VMEM((128, 2 * EMBED), jnp.float32),
            pltpu.VMEM((EMBED, EMBED), jnp.float32),
            pltpu.SemaphoreType.DMA,
            pltpu.SemaphoreType.DMA,
            pltpu.SemaphoreType.DMA,
            pltpu.SemaphoreType.DMA,
            pltpu.SemaphoreType.DMA,
            pltpu.SemaphoreType.DMA,
            pltpu.SemaphoreType.DMA,
            pltpu.SemaphoreType.DMA,
        ],
        compiler_params=pltpu.CompilerParams(use_tc_tiling_on_sc=True,
                                             needs_layout_passes=False),
    )
    def sc_stage(tt_hbm, tail_hbm, stg_hbm, e0, e1, e2, e3, o0, o1, o2, o3,
                 tbuf, si0, si1, si2, si3, so0, so1, so2, so3):
        ebufs = (e0, e1, e2, e3)
        obufs = (o0, o1, o2, o3)
        sis = (si0, si1, si2, si3)
        sos = (so0, so1, so2, so3)
        wid = lax.axis_index("s") * num_cores + lax.axis_index("c")
        nblk = (NBLK_FULL + 31 - wid) // 32

        def load(j, ebuf, sem):
            t = wid + 32 * j
            pltpu.async_copy(tt_hbm.at[:, pl.ds(128 * t, 128)], ebuf, sem)

        def wait_load(ebuf, sem):
            pltpu.make_async_copy(tt_hbm.at[:, pl.ds(0, 128)], ebuf,
                                  sem).wait()

        def store(j, obuf, sem):
            t = wid + 32 * j
            pltpu.async_copy(obuf, stg_hbm.at[pl.ds(128 * t, 128)], sem)

        def wait_store(obuf, sem):
            pltpu.make_async_copy(obuf, stg_hbm.at[pl.ds(0, 128)],
                                  sem).wait()

        rows_k = [lax.iota(jnp.int32, 16) + 16 * k for k in range(4)]

        def transpose(ebuf, obuf, ncols):
            @functools.partial(plsc.parallel_loop, 0, ncols, unroll=4)
            def _(l):
                cl = jnp.full((16,), l, jnp.int32)
                for k in range(4):
                    v = plsc.load_gather(ebuf, [rows_k[k], cl])
                    obuf[l, pl.ds(16 * k, 16)] = v

        for q in range(4):
            @pl.when(q < nblk)
            def _(q=q):
                load(q, ebufs[q], sis[q])

        def step(j, q):
            @pl.when(j < nblk)
            def _():
                wait_load(ebufs[q], sis[q])

                @pl.when(j >= 4)
                def _():
                    wait_store(obufs[q], sos[q])

                transpose(ebufs[q], obufs[q], 128)
                store(j, obufs[q], sos[q])

                @pl.when(j + 4 < nblk)
                def _():
                    load(j + 4, ebufs[q], sis[q])

        def body(i, _):
            for q in range(4):
                step(4 * i + q, q)
            return 0

        lax.fori_loop(0, 62, body, 0)

        for q in range(4):
            @pl.when(nblk >= q + 1)
            def _(q=q):
                wait_store(obufs[q], sos[q])

        @pl.when(wid == 0)
        def _():
            pltpu.sync_copy(tail_hbm, tbuf)
            transpose(tbuf, o0, 64)
            pltpu.sync_copy(o0, stg_hbm.at[pl.ds(128 * NBLK_FULL, 128)])

    return sc_stage


def _make_sc_pool(num_cores, num_subcores):
    nw = num_cores * num_subcores
    b_per_w = BATCH // nw
    mesh = plsc.VectorSubcoreMesh(
        core_axis_name="c", subcore_axis_name="s",
        num_cores=num_cores, num_subcores=num_subcores)

    @functools.partial(
        pl.kernel,
        mesh=mesh,
        out_type=jax.ShapeDtypeStruct((BATCH, EMBED), jnp.float32),
        scratch_types=[
            pltpu.VMEM((SEQ, b_per_w), jnp.int32),
            pltpu.VMEM((b_per_w, 2 * EMBED), jnp.float32),
            pltpu.VMEM((b_per_w, 2 * EMBED), jnp.float32),
            pltpu.VMEM((b_per_w, 2 * EMBED), jnp.float32),
            pltpu.VMEM((b_per_w, 2 * EMBED), jnp.float32),
            pltpu.VMEM((b_per_w, EMBED), jnp.float32),
            pltpu.SemaphoreType.DMA,
            pltpu.SemaphoreType.DMA,
            pltpu.SemaphoreType.DMA,
            pltpu.SemaphoreType.DMA,
        ],
        compiler_params=pltpu.CompilerParams(use_tc_tiling_on_sc=True),
    )
    def sc_pool(x_hbm, table_hbm, out_hbm, idx_v, r0, r1, r2, r3, acc_v,
                s0_, s1_, s2_, s3_):
        bufs = (r0, r1, r2, r3)
        sems = (s0_, s1_, s2_, s3_)
        wid = lax.axis_index("s") * num_cores + lax.axis_index("c")
        base = wid * b_per_w

        pltpu.sync_copy(x_hbm.at[:, pl.ds(base, b_per_w)], idx_v)

        z = jnp.zeros((16,), jnp.float32)

        def zero_body(b, _):
            for j in range(EMBED // 16):
                acc_v[b, pl.ds(16 * j, 16)] = z
            return 0

        lax.fori_loop(0, b_per_w, zero_body, 0)

        def gather(s, rows, sem):
            pltpu.async_copy(table_hbm.at[idx_v.at[s]], rows, sem)

        def wait(rows, sem):
            pltpu.make_async_copy(table_hbm.at[pl.ds(0, b_per_w)], rows,
                                  sem).wait()

        def accum(rows):
            u = 4

            def body(i, _):
                b = i * u
                for k in range(u):
                    for j in range(EMBED // 16):
                        plsc.addupdate(acc_v.at[b + k, pl.ds(16 * j, 16)],
                                       rows[b + k, pl.ds(16 * j, 16)])
                return 0

            lax.fori_loop(0, b_per_w // u, body, 0)

        for q in range(4):
            gather(q, bufs[q], sems[q])

        def quad(i, _):
            s0 = 4 * i
            for q in range(4):
                wait(bufs[q], sems[q])
                accum(bufs[q])

                @pl.when(s0 + q + 4 < SEQ)
                def _():
                    gather(s0 + q + 4, bufs[q], sems[q])

            return 0

        lax.fori_loop(0, SEQ // 4, quad, 0)

        pltpu.sync_copy(acc_v, out_hbm.at[pl.ds(base, b_per_w)])

    return sc_pool


def _linear_body(p_ref, w_ref, b_ref, o_ref):
    p = p_ref[...]
    w = w_ref[...]
    acc = lax.dot_general(p, w, (((1,), (1,)), ((), ())),
                          preferred_element_type=jnp.float32)
    o_ref[...] = acc * (1.0 / SEQ) + b_ref[...]


def _linear(pooled_sum, fc_w, fc_b2):
    blk = 512
    return pl.pallas_call(
        _linear_body,
        grid=(BATCH // blk,),
        in_specs=[
            pl.BlockSpec((blk, EMBED), lambda i: (i, 0)),
            pl.BlockSpec((OUT, EMBED), lambda i: (0, 0)),
            pl.BlockSpec((1, OUT), lambda i: (0, 0)),
        ],
        out_specs=pl.BlockSpec((blk, OUT), lambda i: (i, 0)),
        out_shape=jax.ShapeDtypeStruct((BATCH, OUT), jnp.float32),
    )(pooled_sum, fc_w, fc_b2)


def kernel(x, emb_table, fc_w, fc_b):
    info = plsc.get_sparse_core_info()
    sc_stage = _make_sc_stage(info.num_cores, info.num_subcores)
    sc_pool = _make_sc_pool(info.num_cores, info.num_subcores)
    staged = sc_stage(emb_table.T, emb_table[128 * NBLK_FULL:].T)
    pooled_sum = sc_pool(x.astype(jnp.int32), staged)
    return _linear(pooled_sum, fc_w, fc_b.reshape(1, OUT))

# --- scband reference (transcript-rebuilt; emitter-appended) ---
"""Pipeline reference for scband-fast-text-81320910782771 (READ-ONLY COPY).

The authoritative reference and input builder live on the scoring server;
editing this copy changes nothing except your own understanding.
"""

import jax, jax.numpy as jnp
import numpy as np

VOCAB = 1000000
EMBED_DIM = 64
OUTPUT_DIM = 32
SEQ_LEN = 200
BATCH = 4096

def setup_inputs(seed: int = 0) -> dict:
    key = jax.random.key(seed)
    k1, k2, k3, k4 = jax.random.split(key, 4)
    x = jax.random.randint(k1, (SEQ_LEN, BATCH), 0, VOCAB, dtype=jnp.int64)
    emb_table = jax.random.normal(k2, (VOCAB, EMBED_DIM), dtype=jnp.float32)
    fc_w = jax.random.normal(k3, (OUTPUT_DIM, EMBED_DIM), dtype=jnp.float32) * 0.05
    fc_b = jax.random.normal(k4, (OUTPUT_DIM,), dtype=jnp.float32) * 0.01
    return {"x": x, "emb_table": emb_table, "fc_w": fc_w, "fc_b": fc_b}

def reference(x, emb_table, fc_w, fc_b):
    # nn.Embedding lookup: [seq_len, batch, embed_dim]
    embedded = jnp.take(emb_table, x, axis=0)
    # permute(1, 0, 2): [batch, seq_len, embed_dim]
    embedded = jnp.transpose(embedded, (1, 0, 2))
    # F.avg_pool2d with kernel (seq_len, 1) then squeeze(1): mean over seq dim
    pooled = jnp.mean(embedded, axis=1)
    # fc: Linear(embed_dim, output_dim)
    return pooled @ fc_w.T + fc_b

if __name__ == "__main__":
    import jax
    _d = setup_inputs()
    print(jax.jit(kernel)(*tuple(_d.values())))

</pallas_src>

<mosaic_0001>
#map = affine_map<(d0, d1) -> (0, 0)>
module attributes {stable_mosaic.version = 14 : i64} {
  func.func @sc_stage(%arg0: i32, %arg1: i32, %arg2: memref<64x1000000xf32, #tpu.memory_space<hbm>>, %arg3: memref<64x64xf32, #tpu.memory_space<hbm>>, %arg4: memref<1000064x128xf32, #tpu.memory_space<hbm>>, %arg5: memref<64x128xf32, #tpu.memory_space<vmem>>, %arg6: memref<64x128xf32, #tpu.memory_space<vmem>>, %arg7: memref<64x128xf32, #tpu.memory_space<vmem>>, %arg8: memref<64x128xf32, #tpu.memory_space<vmem>>, %arg9: memref<128x128xf32, #tpu.memory_space<vmem>>, %arg10: memref<128x128xf32, #tpu.memory_space<vmem>>, %arg11: memref<128x128xf32, #tpu.memory_space<vmem>>, %arg12: memref<128x128xf32, #tpu.memory_space<vmem>>, %arg13: memref<64x64xf32, #tpu.memory_space<vmem>>, %arg14: memref<!tpu.dma_semaphore, #tpu.memory_space<semaphore_mem>>, %arg15: memref<!tpu.dma_semaphore, #tpu.memory_space<semaphore_mem>>, %arg16: memref<!tpu.dma_semaphore, #tpu.memory_space<semaphore_mem>>, %arg17: memref<!tpu.dma_semaphore, #tpu.memory_space<semaphore_mem>>, %arg18: memref<!tpu.dma_semaphore, #tpu.memory_space<semaphore_mem>>, %arg19: memref<!tpu.dma_semaphore, #tpu.memory_space<semaphore_mem>>, %arg20: memref<!tpu.dma_semaphore, #tpu.memory_space<semaphore_mem>>, %arg21: memref<!tpu.dma_semaphore, #tpu.memory_space<semaphore_mem>>) attributes {dimension_semantics = [#tpu.dimension_semantics<core_parallel>, #tpu.dimension_semantics<subcore_parallel>], iteration_bounds = array<i64: 2, 16>, scalar_prefetch = 0 : i64, scratch_operands = 17 : i64, tpu.core_type = #tpu.core_type<sc_vector_subcore>, window_params = [{transform_indices = #map}, {transform_indices = #map}, {transform_indices = #map}]} {
    %mul3A = arith.constant 2 : i32
    %mul3A_0 = arith.muli %arg1, %mul3A : i32
    %add3A = arith.addi %mul3A_0, %arg0 : i32
    %sub3A = arith.constant 7843 : i32
    %sub3A_1 = arith.subi %sub3A, %add3A : i32
    %jit3A = arith.constant 32 : i32
    %div3A = arith.divsi %sub3A_1, %jit3A : i32
    %sign3A = arith.constant 0 : i32
    %sign3A_2 = arith.cmpi sgt, %sub3A_1, %sign3A : i32
    %sign3A_3 = arith.extui %sign3A_2 : i1 to i32
    %sign3A_4 = arith.constant 0 : i32
    %sign3A_5 = arith.cmpi slt, %sub3A_1, %sign3A_4 : i32
    %sign3A_6 = arith.extui %sign3A_5 : i1 to i32
    %sign3A_7 = arith.subi %sign3A_3, %sign3A_6 : i32
    %sign3A_8 = arith.constant 0 : i32
    %sign3A_9 = arith.cmpi sgt, %jit3A, %sign3A_8 : i32
    %sign3A_10 = arith.extui %sign3A_9 : i1 to i32
    %sign3A_11 = arith.constant 0 : i32
    %sign3A_12 = arith.cmpi slt, %jit3A, %sign3A_11 : i32
    %sign3A_13 = arith.extui %sign3A_12 : i1 to i32
    %sign3A_14 = arith.subi %sign3A_10, %sign3A_13 : i32
    %ne3A = arith.cmpi ne, %sign3A_7, %sign3A_14 : i32
    %rem3A = arith.remsi %sub3A_1, %jit3A : i32
    %ne3A_15 = arith.constant 0 : i32
    %ne3A_16 = arith.cmpi ne, %rem3A, %ne3A_15 : i32
    %and3A = arith.andi %ne3A, %ne3A_16 : i1
    %sub3A_17 = arith.constant 1 : i32
    %sub3A_18 = arith.subi %div3A, %sub3A_17 : i32
    %select_n3A = arith.select %and3A, %sub3A_18, %div3A : i32
    %iota3A = tpu.iota {dimensions = array<i32: 0>} : vector<16xi32>
    %add3A_19 = arith.constant 0 : i32
    %add3A_20 = vector.broadcast %add3A_19 : i32 to vector<16xi32>
    %add3A_21 = arith.addi %iota3A, %add3A_20 : vector<16xi32>
    %iota3A_22 = tpu.iota {dimensions = array<i32: 0>} : vector<16xi32>
    %add3A_23 = arith.constant 16 : i32
    %add3A_24 = vector.broadcast %add3A_23 : i32 to vector<16xi32>
    %add3A_25 = arith.addi %iota3A_22, %add3A_24 : vector<16xi32>
    %iota3A_26 = tpu.iota {dimensions = array<i32: 0>} : vector<16xi32>
    %add3A_27 = arith.constant 32 : i32
    %add3A_28 = vector.broadcast %add3A_27 : i32 to vector<16xi32>
    %add3A_29 = arith.addi %iota3A_26, %add3A_28 : vector<16xi32>
    %iota3A_30 = tpu.iota {dimensions = array<i32: 0>} : vector<16xi32>
    %add3A_31 = arith.constant 48 : i32
    %add3A_32 = vector.broadcast %add3A_31 : i32 to vector<16xi32>
    %add3A_33 = arith.addi %iota3A_30, %add3A_32 : vector<16xi32>
    %gt3A = arith.constant 0 : i32
    %gt3A_34 = arith.cmpi sgt, %select_n3A, %gt3A : i32
    %convert_element_type3A = arith.extui %gt3A_34 : i1 to i32
    %cond3A = arith.constant 0 : i32
    %cond3A_35 = arith.cmpi ne, %convert_element_type3A, %cond3A : i32
    scf.if %cond3A_35 {
      %add3A_80 = arith.constant 0 : i32
      %add3A_81 = arith.addi %add3A, %add3A_80 : i32
      %mul3A_82 = arith.constant 128 : i32
      %mul3A_83 = arith.muli %mul3A_82, %add3A_81 : i32
      %dma_start3A = arith.constant 0 : i32
      %dma_start3A_84 = tpu.memref_slice %arg2[%dma_start3A, %mul3A_83] : memref<64x1000000xf32, #tpu.memory_space<hbm>> -> memref<64x128xf32, #tpu.memory_space<hbm>>
      %dma_start3A_85 = arith.constant 0 : i32
      %dma_start3A_86 = tpu.memref_slice %arg2[%dma_start3A_85, %mul3A_83] : memref<64x1000000xf32, #tpu.memory_space<hbm>> -> memref<64x128xf32, #tpu.memory_space<hbm>>
      tpu.enqueue_dma source(%dma_start3A_86 : memref<64x128xf32, #tpu.memory_space<hbm>>) target(%arg5 : memref<64x128xf32, #tpu.memory_space<vmem>>) target_semaphore(%arg14 : memref<!tpu.dma_semaphore, #tpu.memory_space<semaphore_mem>>)
    } else {
    }
    %gt3A_36 = arith.constant 1 : i32
    %gt3A_37 = arith.cmpi sgt, %select_n3A, %gt3A_36 : i32
    %convert_element_type3A_38 = arith.extui %gt3A_37 : i1 to i32
    %cond3A_39 = arith.constant 0 : i32
    %cond3A_40 = arith.cmpi ne, %convert_element_type3A_38, %cond3A_39 : i32
    scf.if %cond3A_40 {
      %add3A_80 = arith.constant 32 : i32
      %add3A_81 = arith.addi %add3A, %add3A_80 : i32
      %mul3A_82 = arith.constant 128 : i32
      %mul3A_83 = arith.muli %mul3A_82, %add3A_81 : i32
      %dma_start3A = arith.constant 0 : i32
      %dma_start3A_84 = tpu.memref_slice %arg2[%dma_start3A, %mul3A_83] : memref<64x1000000xf32, #tpu.memory_space<hbm>> -> memref<64x128xf32, #tpu.memory_space<hbm>>
      %dma_start3A_85 = arith.constant 0 : i32
      %dma_start3A_86 = tpu.memref_slice %arg2[%dma_start3A_85, %mul3A_83] : memref<64x1000000xf32, #tpu.memory_space<hbm>> -> memref<64x128xf32, #tpu.memory_space<hbm>>
      tpu.enqueue_dma source(%dma_start3A_86 : memref<64x128xf32, #tpu.memory_space<hbm>>) target(%arg6 : memref<64x128xf32, #tpu.memory_space<vmem>>) target_semaphore(%arg15 : memref<!tpu.dma_semaphore, #tpu.memory_space<semaphore_mem>>)
    } else {
    }
    %gt3A_41 = arith.constant 2 : i32
    %gt3A_42 = arith.cmpi sgt, %select_n3A, %gt3A_41 : i32
    %convert_element_type3A_43 = arith.extui %gt3A_42 : i1 to i32
    %cond3A_44 = arith.constant 0 : i32
    %cond3A_45 = arith.cmpi ne, %convert_element_type3A_43, %cond3A_44 : i32
    scf.if %cond3A_45 {
      %add3A_80 = arith.constant 64 : i32
      %add3A_81 = arith.addi %add3A, %add3A_80 : i32
      %mul3A_82 = arith.constant 128 : i32
      %mul3A_83 = arith.muli %mul3A_82, %add3A_81 : i32
      %dma_start3A = arith.constant 0 : i32
      %dma_start3A_84 = tpu.memref_slice %arg2[%dma_start3A, %mul3A_83] : memref<64x1000000xf32, #tpu.memory_space<hbm>> -> memref<64x128xf32, #tpu.memory_space<hbm>>
      %dma_start3A_85 = arith.constant 0 : i32
      %dma_start3A_86 = tpu.memref_slice %arg2[%dma_start3A_85, %mul3A_83] : memref<64x1000000xf32, #tpu.memory_space<hbm>> -> memref<64x128xf32, #tpu.memory_space<hbm>>
      tpu.enqueue_dma source(%dma_start3A_86 : memref<64x128xf32, #tpu.memory_space<hbm>>) target(%arg7 : memref<64x128xf32, #tpu.memory_space<vmem>>) target_semaphore(%arg16 : memref<!tpu.dma_semaphore, #tpu.memory_space<semaphore_mem>>)
    } else {
    }
    %gt3A_46 = arith.constant 3 : i32
    %gt3A_47 = arith.cmpi sgt, %select_n3A, %gt3A_46 : i32
    %convert_element_type3A_48 = arith.extui %gt3A_47 : i1 to i32
    %cond3A_49 = arith.constant 0 : i32
    %cond3A_50 = arith.cmpi ne, %convert_element_type3A_48, %cond3A_49 : i32
    scf.if %cond3A_50 {
      %add3A_80 = arith.constant 96 : i32
      %add3A_81 = arith.addi %add3A, %add3A_80 : i32
      %mul3A_82 = arith.constant 128 : i32
      %mul3A_83 = arith.muli %mul3A_82, %add3A_81 : i32
      %dma_start3A = arith.constant 0 : i32
      %dma_start3A_84 = tpu.memref_slice %arg2[%dma_start3A, %mul3A_83] : memref<64x1000000xf32, #tpu.memory_space<hbm>> -> memref<64x128xf32, #tpu.memory_space<hbm>>
      %dma_start3A_85 = arith.constant 0 : i32
      %dma_start3A_86 = tpu.memref_slice %arg2[%dma_start3A_85, %mul3A_83] : memref<64x1000000xf32, #tpu.memory_space<hbm>> -> memref<64x128xf32, #tpu.memory_space<hbm>>
      tpu.enqueue_dma source(%dma_start3A_86 : memref<64x128xf32, #tpu.memory_space<hbm>>) target(%arg8 : memref<64x128xf32, #tpu.memory_space<vmem>>) target_semaphore(%arg17 : memref<!tpu.dma_semaphore, #tpu.memory_space<semaphore_mem>>)
    } else {
    }
    %scan3A = arith.constant 0 : i32
    %scan3A_51 = arith.constant 0 : i32
    %scan3A_52 = arith.constant 62 : i32
    %scan3A_53 = arith.addi %scan3A_51, %scan3A_52 : i32
    %scan3A_54 = arith.constant 1 : i32
    %scan3A_55 = scf.for %scan3A_80 = %scan3A_51 to %scan3A_53 step %scan3A_54 iter_args(%scan3A_81 = %scan3A) -> (i32)  : i32 {
      %mul3A_82 = arith.constant 4 : i32
      %mul3A_83 = arith.muli %mul3A_82, %scan3A_80 : i32
      %add3A_84 = arith.constant 0 : i32
      %add3A_85 = arith.addi %mul3A_83, %add3A_84 : i32
      %lt3A = arith.cmpi slt, %add3A_85, %select_n3A : i32
      %convert_element_type3A_86 = arith.extui %lt3A : i1 to i32
      %cond3A_87 = arith.constant 0 : i32
      %cond3A_88 = arith.cmpi ne, %convert_element_type3A_86, %cond3A_87 : i32
      scf.if %cond3A_88 {
        %dma_wait3A = arith.constant 0 : i32
        %dma_wait3A_114 = arith.constant 0 : i32
        %dma_wait3A_115 = tpu.memref_slice %arg2[%dma_wait3A, %dma_wait3A_114] : memref<64x1000000xf32, #tpu.memory_space<hbm>> -> memref<64x128xf32, #tpu.memory_space<hbm>>
        %dma_wait3A_116 = arith.constant 0 : i32
        %dma_wait3A_117 = arith.constant 0 : i32
        %dma_wait3A_118 = tpu.memref_slice %arg2[%dma_wait3A_116, %dma_wait3A_117] : memref<64x1000000xf32, #tpu.memory_space<hbm>> -> memref<64x128xf32, #tpu.memory_space<hbm>>
        tpu.wait_dma2 semaphore(%arg14 : memref<!tpu.dma_semaphore, #tpu.memory_space<semaphore_mem>>) src(%dma_wait3A_118 : memref<64x128xf32, #tpu.memory_space<hbm>>) dst(%arg5 : memref<64x128xf32, #tpu.memory_space<vmem>>)
        %ge3A_119 = arith.constant 4 : i32
        %ge3A_120 = arith.cmpi sge, %add3A_85, %ge3A_119 : i32
        %convert_element_type3A_121 = arith.extui %ge3A_120 : i1 to i32
        %cond3A_122 = arith.constant 0 : i32
        %cond3A_123 = arith.cmpi ne, %convert_element_type3A_121, %cond3A_122 : i32
        scf.if %cond3A_123 {
          %dma_wait3A_138 = arith.constant 0 : i32
          %dma_wait3A_139 = arith.constant 0 : i32
          %dma_wait3A_140 = tpu.memref_slice %arg4[%dma_wait3A_138, %dma_wait3A_139] : memref<1000064x128xf32, #tpu.memory_space<hbm>> -> memref<128x128xf32, #tpu.memory_space<hbm>>
          %dma_wait3A_141 = arith.constant 0 : i32
          %dma_wait3A_142 = arith.constant 0 : i32
          %dma_wait3A_143 = tpu.memref_slice %arg4[%dma_wait3A_141, %dma_wait3A_142] : memref<1000064x128xf32, #tpu.memory_space<hbm>> -> memref<128x128xf32, #tpu.memory_space<hbm>>
          tpu.wait_dma2 semaphore(%arg18 : memref<!tpu.dma_semaphore, #tpu.memory_space<semaphore_mem>>) src(%arg9 : memref<128x128xf32, #tpu.memory_space<vmem>>) dst(%dma_wait3A_143 : memref<128x128xf32, #tpu.memory_space<hbm>>)
        } else {
        }
        %mul3A_124 = arith.constant 32 : i32
        %mul3A_125 = arith.muli %mul3A_124, %add3A_85 : i32
        %add3A_126 = arith.addi %add3A, %mul3A_125 : i32
        %mul3A_127 = arith.constant 128 : i32
        %mul3A_128 = arith.muli %mul3A_127, %add3A_126 : i32
        %dma_start3A = arith.constant 0 : i32
        %dma_start3A_129 = tpu.memref_slice %arg4[%mul3A_128, %dma_start3A] : memref<1000064x128xf32, #tpu.memory_space<hbm>> -> memref<128x128xf32, #tpu.memory_space<hbm>>
        %dma_start3A_130 = arith.constant 0 : i32
        %dma_start3A_131 = tpu.memref_slice %arg4[%mul3A_128, %dma_start3A_130] : memref<1000064x128xf32, #tpu.memory_space<hbm>> -> memref<128x128xf32, #tpu.memory_space<hbm>>
        tpu.enqueue_dma source(%arg9 : memref<128x128xf32, #tpu.memory_space<vmem>>) target(%dma_start3A_131 : memref<128x128xf32, #tpu.memory_space<hbm>>) target_semaphore(%arg18 : memref<!tpu.dma_semaphore, #tpu.memory_space<semaphore_mem>>)
        %add3A_132 = arith.constant 4 : i32
        %add3A_133 = arith.addi %add3A_85, %add3A_132 : i32
        %lt3A_134 = arith.cmpi slt, %add3A_133, %select_n3A : i32
        %convert_element_type3A_135 = arith.extui %lt3A_134 : i1 to i32
        %cond3A_136 = arith.constant 0 : i32
        %cond3A_137 = arith.cmpi ne, %convert_element_type3A_135, %cond3A_136 : i32
        scf.if %cond3A_137 {
          %add3A_138 = arith.constant 4 : i32
          %add3A_139 = arith.addi %add3A_85, %add3A_138 : i32
          %mul3A_140 = arith.constant 32 : i32
          %mul3A_141 = arith.muli %mul3A_140, %add3A_139 : i32
          %add3A_142 = arith.addi %add3A, %mul3A_141 : i32
          %mul3A_143 = arith.constant 128 : i32
          %mul3A_144 = arith.muli %mul3A_143, %add3A_142 : i32
          %dma_start3A_145 = arith.constant 0 : i32
          %dma_start3A_146 = tpu.memref_slice %arg2[%dma_start3A_145, %mul3A_144] : memref<64x1000000xf32, #tpu.memory_space<hbm>> -> memref<64x128xf32, #tpu.memory_space<hbm>>
          %dma_start3A_147 = arith.constant 0 : i32
          %dma_start3A_148 = tpu.memref_slice %arg2[%dma_start3A_147, %mul3A_144] : memref<64x1000000xf32, #tpu.memory_space<hbm>> -> memref<64x128xf32, #tpu.memory_space<hbm>>
          tpu.enqueue_dma source(%dma_start3A_148 : memref<64x128xf32, #tpu.memory_space<hbm>>) target(%arg5 : memref<64x128xf32, #tpu.memory_space<vmem>>) target_semaphore(%arg14 : memref<!tpu.dma_semaphore, #tpu.memory_space<semaphore_mem>>)
        } else {
        }
      } else {
      }
      %mul3A_89 = arith.constant 4 : i32
      %mul3A_90 = arith.muli %mul3A_89, %scan3A_80 : i32
      %add3A_91 = arith.constant 1 : i32
      %add3A_92 = arith.addi %mul3A_90, %add3A_91 : i32
      %lt3A_93 = arith.cmpi slt, %add3A_92, %select_n3A : i32
      %convert_element_type3A_94 = arith.extui %lt3A_93 : i1 to i32
      %cond3A_95 = arith.constant 0 : i32
      %cond3A_96 = arith.cmpi ne, %convert_element_type3A_94, %cond3A_95 : i32
      scf.if %cond3A_96 {
        %dma_wait3A = arith.constant 0 : i32
        %dma_wait3A_114 = arith.constant 0 : i32
        %dma_wait3A_115 = tpu.memref_slice %arg2[%dma_wait3A, %dma_wait3A_114] : memref<64x1000000xf32, #tpu.memory_space<hbm>> -> memref<64x128xf32, #tpu.memory_space<hbm>>
        %dma_wait3A_116 = arith.constant 0 : i32
        %dma_wait3A_117 = arith.constant 0 : i32
        %dma_wait3A_118 = tpu.memref_slice %arg2[%dma_wait3A_116, %dma_wait3A_117] : memref<64x1000000xf32, #tpu.memory_space<hbm>> -> memref<64x128xf32, #tpu.memory_space<hbm>>
        tpu.wait_dma2 semaphore(%arg15 : memref<!tpu.dma_semaphore, #tpu.memory_space<semaphore_mem>>) src(%dma_wait3A_118 : memref<64x128xf32, #tpu.memory_space<hbm>>) dst(%arg6 : memref<64x128xf32, #tpu.memory_space<vmem>>)
        %ge3A_119 = arith.constant 4 : i32
        %ge3A_120 = arith.cmpi sge, %add3A_92, %ge3A_119 : i32
        %convert_element_type3A_121 = arith.extui %ge3A_120 : i1 to i32
        %cond3A_122 = arith.constant 0 : i32
        %cond3A_123 = arith.cmpi ne, %convert_element_type3A_121, %cond3A_122 : i32
        scf.if %cond3A_123 {
          %dma_wait3A_138 = arith.constant 0 : i32
          %dma_wait3A_139 = arith.constant 0 : i32
          %dma_wait3A_140 = tpu.memref_slice %arg4[%dma_wait3A_138, %dma_wait3A_139] : memref<1000064x128xf32, #tpu.memory_space<hbm>> -> memref<128x128xf32, #tpu.memory_space<hbm>>
          %dma_wait3A_141 = arith.constant 0 : i32
          %dma_wait3A_142 = arith.constant 0 : i32
          %dma_wait3A_143 = tpu.memref_slice %arg4[%dma_wait3A_141, %dma_wait3A_142] : memref<1000064x128xf32, #tpu.memory_space<hbm>> -> memref<128x128xf32, #tpu.memory_space<hbm>>
          tpu.wait_dma2 semaphore(%arg19 : memref<!tpu.dma_semaphore, #tpu.memory_space<semaphore_mem>>) src(%arg10 : memref<128x128xf32, #tpu.memory_space<vmem>>) dst(%dma_wait3A_143 : memref<128x128xf32, #tpu.memory_space<hbm>>)
        } else {
        }
        %mul3A_124 = arith.constant 32 : i32
        %mul3A_125 = arith.muli %mul3A_124, %add3A_92 : i32
        %add3A_126 = arith.addi %add3A, %mul3A_125 : i32
        %mul3A_127 = arith.constant 128 : i32
        %mul3A_128 = arith.muli %mul3A_127, %add3A_126 : i32
        %dma_start3A = arith.constant 0 : i32
        %dma_start3A_129 = tpu.memref_slice %arg4[%mul3A_128, %dma_start3A] : memref<1000064x128xf32, #tpu.memory_space<hbm>> -> memref<128x128xf32, #tpu.memory_space<hbm>>
        %dma_start3A_130 = arith.constant 0 : i32
        %dma_start3A_131 = tpu.memref_slice %arg4[%mul3A_128, %dma_start3A_130] : memref<1000064x128xf32, #tpu.memory_space<hbm>> -> memref<128x128xf32, #tpu.memory_space<hbm>>
        tpu.enqueue_dma source(%arg10 : memref<128x128xf32, #tpu.memory_space<vmem>>) target(%dma_start3A_131 : memref<128x128xf32, #tpu.memory_space<hbm>>) target_semaphore(%arg19 : memref<!tpu.dma_semaphore, #tpu.memory_space<semaphore_mem>>)
        %add3A_132 = arith.constant 4 : i32
        %add3A_133 = arith.addi %add3A_92, %add3A_132 : i32
        %lt3A_134 = arith.cmpi slt, %add3A_133, %select_n3A : i32
        %convert_element_type3A_135 = arith.extui %lt3A_134 : i1 to i32
        %cond3A_136 = arith.constant 0 : i32
        %cond3A_137 = arith.cmpi ne, %convert_element_type3A_135, %cond3A_136 : i32
        scf.if %cond3A_137 {
          %add3A_138 = arith.constant 4 : i32
          %add3A_139 = arith.addi %add3A_92, %add3A_138 : i32
          %mul3A_140 = arith.constant 32 : i32
          %mul3A_141 = arith.muli %mul3A_140, %add3A_139 : i32
          %add3A_142 = arith.addi %add3A, %mul3A_141 : i32
          %mul3A_143 = arith.constant 128 : i32
          %mul3A_144 = arith.muli %mul3A_143, %add3A_142 : i32
          %dma_start3A_145 = arith.constant 0 : i32
          %dma_start3A_146 = tpu.memref_slice %arg2[%dma_start3A_145, %mul3A_144] : memref<64x1000000xf32, #tpu.memory_space<hbm>> -> memref<64x128xf32, #tpu.memory_space<hbm>>
          %dma_start3A_147 = arith.constant 0 : i32
          %dma_start3A_148 = tpu.memref_slice %arg2[%dma_start3A_147, %mul3A_144] : memref<64x1000000xf32, #tpu.memory_space<hbm>> -> memref<64x128xf32, #tpu.memory_space<hbm>>
          tpu.enqueue_dma source(%dma_start3A_148 : memref<64x128xf32, #tpu.memory_space<hbm>>) target(%arg6 : memref<64x128xf32, #tpu.memory_space<vmem>>) target_semaphore(%arg15 : memref<!tpu.dma_semaphore, #tpu.memory_space<semaphore_mem>>)
        } else {
        }
      } else {
      }
      %mul3A_97 = arith.constant 4 : i32
      %mul3A_98 = arith.muli %mul3A_97, %scan3A_80 : i32
      %add3A_99 = arith.constant 2 : i32
      %add3A_100 = arith.addi %mul3A_98, %add3A_99 : i32
      %lt3A_101 = arith.cmpi slt, %add3A_100, %select_n3A : i32
      %convert_element_type3A_102 = arith.extui %lt3A_101 : i1 to i32
      %cond3A_103 = arith.constant 0 : i32
      %cond3A_104 = arith.cmpi ne, %convert_element_type3A_102, %cond3A_103 : i32
      scf.if %cond3A_104 {
        %dma_wait3A = arith.constant 0 : i32
        %dma_wait3A_114 = arith.constant 0 : i32
        %dma_wait3A_115 = tpu.memref_slice %arg2[%dma_wait3A, %dma_wait3A_114] : memref<64x1000000xf32, #tpu.memory_space<hbm>> -> memref<64x128xf32, #tpu.memory_space<hbm>>
        %dma_wait3A_116 = arith.constant 0 : i32
        %dma_wait3A_117 = arith.constant 0 : i32
        %dma_wait3A_118 = tpu.memref_slice %arg2[%dma_wait3A_116, %dma_wait3A_117] : memref<64x1000000xf32, #tpu.memory_space<hbm>> -> memref<64x128xf32, #tpu.memory_space<hbm>>
        tpu.wait_dma2 semaphore(%arg16 : memref<!tpu.dma_semaphore, #tpu.memory_space<semaphore_mem>>) src(%dma_wait3A_118 : memref<64x128xf32, #tpu.memory_space<hbm>>) dst(%arg7 : memref<64x128xf32, #tpu.memory_space<vmem>>)
        %ge3A_119 = arith.constant 4 : i32
        %ge3A_120 = arith.cmpi sge, %add3A_100, %ge3A_119 : i32
        %convert_element_type3A_121 = arith.extui %ge3A_120 : i1 to i32
        %cond3A_122 = arith.constant 0 : i32
        %cond3A_123 = arith.cmpi ne, %convert_element_type3A_121, %cond3A_122 : i32
        scf.if %cond3A_123 {
          %dma_wait3A_138 = arith.constant 0 : i32
          %dma_wait3A_139 = arith.constant 0 : i32
          %dma_wait3A_140 = tpu.memref_slice %arg4[%dma_wait3A_138, %dma_wait3A_139] : memref<1000064x128xf32, #tpu.memory_space<hbm>> -> memref<128x128xf32, #tpu.memory_space<hbm>>
          %dma_wait3A_141 = arith.constant 0 : i32
          %dma_wait3A_142 = arith.constant 0 : i32
          %dma_wait3A_143 = tpu.memref_slice %arg4[%dma_wait3A_141, %dma_wait3A_142] : memref<1000064x128xf32, #tpu.memory_space<hbm>> -> memref<128x128xf32, #tpu.memory_space<hbm>>
          tpu.wait_dma2 semaphore(%arg20 : memref<!tpu.dma_semaphore, #tpu.memory_space<semaphore_mem>>) src(%arg11 : memref<128x128xf32, #tpu.memory_space<vmem>>) dst(%dma_wait3A_143 : memref<128x128xf32, #tpu.memory_space<hbm>>)
        } else {
        }
        %mul3A_124 = arith.constant 32 : i32
        %mul3A_125 = arith.muli %mul3A_124, %add3A_100 : i32
        %add3A_126 = arith.addi %add3A, %mul3A_125 : i32
        %mul3A_127 = arith.constant 128 : i32
        %mul3A_128 = arith.muli %mul3A_127, %add3A_126 : i32
        %dma_start3A = arith.constant 0 : i32
        %dma_start3A_129 = tpu.memref_slice %arg4[%mul3A_128, %dma_start3A] : memref<1000064x128xf32, #tpu.memory_space<hbm>> -> memref<128x128xf32, #tpu.memory_space<hbm>>
        %dma_start3A_130 = arith.constant 0 : i32
        %dma_start3A_131 = tpu.memref_slice %arg4[%mul3A_128, %dma_start3A_130] : memref<1000064x128xf32, #tpu.memory_space<hbm>> -> memref<128x128xf32, #tpu.memory_space<hbm>>
        tpu.enqueue_dma source(%arg11 : memref<128x128xf32, #tpu.memory_space<vmem>>) target(%dma_start3A_131 : memref<128x128xf32, #tpu.memory_space<hbm>>) target_semaphore(%arg20 : memref<!tpu.dma_semaphore, #tpu.memory_space<semaphore_mem>>)
        %add3A_132 = arith.constant 4 : i32
        %add3A_133 = arith.addi %add3A_100, %add3A_132 : i32
        %lt3A_134 = arith.cmpi slt, %add3A_133, %select_n3A : i32
        %convert_element_type3A_135 = arith.extui %lt3A_134 : i1 to i32
        %cond3A_136 = arith.constant 0 : i32
        %cond3A_137 = arith.cmpi ne, %convert_element_type3A_135, %cond3A_136 : i32
        scf.if %cond3A_137 {
          %add3A_138 = arith.constant 4 : i32
          %add3A_139 = arith.addi %add3A_100, %add3A_138 : i32
          %mul3A_140 = arith.constant 32 : i32
          %mul3A_141 = arith.muli %mul3A_140, %add3A_139 : i32
          %add3A_142 = arith.addi %add3A, %mul3A_141 : i32
          %mul3A_143 = arith.constant 128 : i32
          %mul3A_144 = arith.muli %mul3A_143, %add3A_142 : i32
          %dma_start3A_145 = arith.constant 0 : i32
          %dma_start3A_146 = tpu.memref_slice %arg2[%dma_start3A_145, %mul3A_144] : memref<64x1000000xf32, #tpu.memory_space<hbm>> -> memref<64x128xf32, #tpu.memory_space<hbm>>
          %dma_start3A_147 = arith.constant 0 : i32
          %dma_start3A_148 = tpu.memref_slice %arg2[%dma_start3A_147, %mul3A_144] : memref<64x1000000xf32, #tpu.memory_space<hbm>> -> memref<64x128xf32, #tpu.memory_space<hbm>>
          tpu.enqueue_dma source(%dma_start3A_148 : memref<64x128xf32, #tpu.memory_space<hbm>>) target(%arg7 : memref<64x128xf32, #tpu.memory_space<vmem>>) target_semaphore(%arg16 : memref<!tpu.dma_semaphore, #tpu.memory_space<semaphore_mem>>)
        } else {
        }
      } else {
      }
      %mul3A_105 = arith.constant 4 : i32
      %mul3A_106 = arith.muli %mul3A_105, %scan3A_80 : i32
      %add3A_107 = arith.constant 3 : i32
      %add3A_108 = arith.addi %mul3A_106, %add3A_107 : i32
      %lt3A_109 = arith.cmpi slt, %add3A_108, %select_n3A : i32
      %convert_element_type3A_110 = arith.extui %lt3A_109 : i1 to i32
      %cond3A_111 = arith.constant 0 : i32
      %cond3A_112 = arith.cmpi ne, %convert_element_type3A_110, %cond3A_111 : i32
      scf.if %cond3A_112 {
        %dma_wait3A = arith.constant 0 : i32
        %dma_wait3A_114 = arith.constant 0 : i32
        %dma_wait3A_115 = tpu.memref_slice %arg2[%dma_wait3A, %dma_wait3A_114] : memref<64x1000000xf32, #tpu.memory_space<hbm>> -> memref<64x128xf32, #tpu.memory_space<hbm>>
        %dma_wait3A_116 = arith.constant 0 : i32
        %dma_wait3A_117 = arith.constant 0 : i32
        %dma_wait3A_118 = tpu.memref_slice %arg2[%dma_wait3A_116, %dma_wait3A_117] : memref<64x1000000xf32, #tpu.memory_space<hbm>> -> memref<64x128xf32, #tpu.memory_space<hbm>>
        tpu.wait_dma2 semaphore(%arg17 : memref<!tpu.dma_semaphore, #tpu.memory_space<semaphore_mem>>) src(%dma_wait3A_118 : memref<64x128xf32, #tpu.memory_space<hbm>>) dst(%arg8 : memref<64x128xf32, #tpu.memory_space<vmem>>)
        %ge3A_119 = arith.constant 4 : i32
        %ge3A_120 = arith.cmpi sge, %add3A_108, %ge3A_119 : i32
        %convert_element_type3A_121 = arith.extui %ge3A_120 : i1 to i32
        %cond3A_122 = arith.constant 0 : i32
        %cond3A_123 = arith.cmpi ne, %convert_element_type3A_121, %cond3A_122 : i32
        scf.if %cond3A_123 {
          %dma_wait3A_138 = arith.constant 0 : i32
          %dma_wait3A_139 = arith.constant 0 : i32
          %dma_wait3A_140 = tpu.memref_slice %arg4[%dma_wait3A_138, %dma_wait3A_139] : memref<1000064x128xf32, #tpu.memory_space<hbm>> -> memref<128x128xf32, #tpu.memory_space<hbm>>
          %dma_wait3A_141 = arith.constant 0 : i32
          %dma_wait3A_142 = arith.constant 0 : i32
          %dma_wait3A_143 = tpu.memref_slice %arg4[%dma_wait3A_141, %dma_wait3A_142] : memref<1000064x128xf32, #tpu.memory_space<hbm>> -> memref<128x128xf32, #tpu.memory_space<hbm>>
          tpu.wait_dma2 semaphore(%arg21 : memref<!tpu.dma_semaphore, #tpu.memory_space<semaphore_mem>>) src(%arg12 : memref<128x128xf32, #tpu.memory_space<vmem>>) dst(%dma_wait3A_143 : memref<128x128xf32, #tpu.memory_space<hbm>>)
        } else {
        }
        %mul3A_124 = arith.constant 32 : i32
        %mul3A_125 = arith.muli %mul3A_124, %add3A_108 : i32
        %add3A_126 = arith.addi %add3A, %mul3A_125 : i32
        %mul3A_127 = arith.constant 128 : i32
        %mul3A_128 = arith.muli %mul3A_127, %add3A_126 : i32
        %dma_start3A = arith.constant 0 : i32
        %dma_start3A_129 = tpu.memref_slice %arg4[%mul3A_128, %dma_start3A] : memref<1000064x128xf32, #tpu.memory_space<hbm>> -> memref<128x128xf32, #tpu.memory_space<hbm>>
        %dma_start3A_130 = arith.constant 0 : i32
        %dma_start3A_131 = tpu.memref_slice %arg4[%mul3A_128, %dma_start3A_130] : memref<1000064x128xf32, #tpu.memory_space<hbm>> -> memref<128x128xf32, #tpu.memory_space<hbm>>
        tpu.enqueue_dma source(%arg12 : memref<128x128xf32, #tpu.memory_space<vmem>>) target(%dma_start3A_131 : memref<128x128xf32, #tpu.memory_space<hbm>>) target_semaphore(%arg21 : memref<!tpu.dma_semaphore, #tpu.memory_space<semaphore_mem>>)
        %add3A_132 = arith.constant 4 : i32
        %add3A_133 = arith.addi %add3A_108, %add3A_132 : i32
        %lt3A_134 = arith.cmpi slt, %add3A_133, %select_n3A : i32
        %convert_element_type3A_135 = arith.extui %lt3A_134 : i1 to i32
        %cond3A_136 = arith.constant 0 : i32
        %cond3A_137 = arith.cmpi ne, %convert_element_type3A_135, %cond3A_136 : i32
        scf.if %cond3A_137 {
          %add3A_138 = arith.constant 4 : i32
          %add3A_139 = arith.addi %add3A_108, %add3A_138 : i32
          %mul3A_140 = arith.constant 32 : i32
          %mul3A_141 = arith.muli %mul3A_140, %add3A_139 : i32
          %add3A_142 = arith.addi %add3A, %mul3A_141 : i32
          %mul3A_143 = arith.constant 128 : i32
          %mul3A_144 = arith.muli %mul3A_143, %add3A_142 : i32
          %dma_start3A_145 = arith.constant 0 : i32
          %dma_start3A_146 = tpu.memref_slice %arg2[%dma_start3A_145, %mul3A_144] : memref<64x1000000xf32, #tpu.memory_space<hbm>> -> memref<64x128xf32, #tpu.memory_space<hbm>>
          %dma_start3A_147 = arith.constant 0 : i32
          %dma_start3A_148 = tpu.memref_slice %arg2[%dma_start3A_147, %mul3A_144] : memref<64x1000000xf32, #tpu.memory_space<hbm>> -> memref<64x128xf32, #tpu.memory_space<hbm>>
          tpu.enqueue_dma source(%dma_start3A_148 : memref<64x128xf32, #tpu.memory_space<hbm>>) target(%arg8 : memref<64x128xf32, #tpu.memory_space<vmem>>) target_semaphore(%arg17 : memref<!tpu.dma_semaphore, #tpu.memory_space<semaphore_mem>>)
        } else {
        }
      } else {
      }
      %scan3A_113 = arith.constant 0 : i32
      scf.yield %scan3A_113 : i32
    }
    %scan3A_56 = arith.constant 62 : i32
    %ge3A = arith.constant 1 : i32
    %ge3A_57 = arith.cmpi sge, %select_n3A, %ge3A : i32
    %convert_element_type3A_58 = arith.extui %ge3A_57 : i1 to i32
    %cond3A_59 = arith.constant 0 : i32
    %cond3A_60 = arith.cmpi ne, %convert_element_type3A_58, %cond3A_59 : i32
    scf.if %cond3A_60 {
      %dma_wait3A = arith.constant 0 : i32
      %dma_wait3A_80 = arith.constant 0 : i32
      %dma_wait3A_81 = tpu.memref_slice %arg4[%dma_wait3A, %dma_wait3A_80] : memref<1000064x128xf32, #tpu.memory_space<hbm>> -> memref<128x128xf32, #tpu.memory_space<hbm>>
      %dma_wait3A_82 = arith.constant 0 : i32
      %dma_wait3A_83 = arith.constant 0 : i32
      %dma_wait3A_84 = tpu.memref_slice %arg4[%dma_wait3A_82, %dma_wait3A_83] : memref<1000064x128xf32, #tpu.memory_space<hbm>> -> memref<128x128xf32, #tpu.memory_space<hbm>>
      tpu.wait_dma2 semaphore(%arg18 : memref<!tpu.dma_semaphore, #tpu.memory_space<semaphore_mem>>) src(%arg9 : memref<128x128xf32, #tpu.memory_space<vmem>>) dst(%dma_wait3A_84 : memref<128x128xf32, #tpu.memory_space<hbm>>)
    } else {
    }
    %ge3A_61 = arith.constant 2 : i32
    %ge3A_62 = arith.cmpi sge, %select_n3A, %ge3A_61 : i32
    %convert_element_type3A_63 = arith.extui %ge3A_62 : i1 to i32
    %cond3A_64 = arith.constant 0 : i32
    %cond3A_65 = arith.cmpi ne, %convert_element_type3A_63, %cond3A_64 : i32
    scf.if %cond3A_65 {
      %dma_wait3A = arith.constant 0 : i32
      %dma_wait3A_80 = arith.constant 0 : i32
      %dma_wait3A_81 = tpu.memref_slice %arg4[%dma_wait3A, %dma_wait3A_80] : memref<1000064x128xf32, #tpu.memory_space<hbm>> -> memref<128x128xf32, #tpu.memory_space<hbm>>
      %dma_wait3A_82 = arith.constant 0 : i32
      %dma_wait3A_83 = arith.constant 0 : i32
      %dma_wait3A_84 = tpu.memref_slice %arg4[%dma_wait3A_82, %dma_wait3A_83] : memref<1000064x128xf32, #tpu.memory_space<hbm>> -> memref<128x128xf32, #tpu.memory_space<hbm>>
      tpu.wait_dma2 semaphore(%arg19 : memref<!tpu.dma_semaphore, #tpu.memory_space<semaphore_mem>>) src(%arg10 : memref<128x128xf32, #tpu.memory_space<vmem>>) dst(%dma_wait3A_84 : memref<128x128xf32, #tpu.memory_space<hbm>>)
    } else {
    }
    %ge3A_66 = arith.constant 3 : i32
    %ge3A_67 = arith.cmpi sge, %select_n3A, %ge3A_66 : i32
    %convert_element_type3A_68 = arith.extui %ge3A_67 : i1 to i32
    %cond3A_69 = arith.constant 0 : i32
    %cond3A_70 = arith.cmpi ne, %convert_element_type3A_68, %cond3A_69 : i32
    scf.if %cond3A_70 {
      %dma_wait3A = arith.constant 0 : i32
      %dma_wait3A_80 = arith.constant 0 : i32
      %dma_wait3A_81 = tpu.memref_slice %arg4[%dma_wait3A, %dma_wait3A_80] : memref<1000064x128xf32, #tpu.memory_space<hbm>> -> memref<128x128xf32, #tpu.memory_space<hbm>>
      %dma_wait3A_82 = arith.constant 0 : i32
      %dma_wait3A_83 = arith.constant 0 : i32
      %dma_wait3A_84 = tpu.memref_slice %arg4[%dma_wait3A_82, %dma_wait3A_83] : memref<1000064x128xf32, #tpu.memory_space<hbm>> -> memref<128x128xf32, #tpu.memory_space<hbm>>
      tpu.wait_dma2 semaphore(%arg20 : memref<!tpu.dma_semaphore, #tpu.memory_space<semaphore_mem>>) src(%arg11 : memref<128x128xf32, #tpu.memory_space<vmem>>) dst(%dma_wait3A_84 : memref<128x128xf32, #tpu.memory_space<hbm>>)
    } else {
    }
    %ge3A_71 = arith.constant 4 : i32
    %ge3A_72 = arith.cmpi sge, %select_n3A, %ge3A_71 : i32
    %convert_element_type3A_73 = arith.extui %ge3A_72 : i1 to i32
    %cond3A_74 = arith.constant 0 : i32
    %cond3A_75 = arith.cmpi ne, %convert_element_type3A_73, %cond3A_74 : i32
    scf.if %cond3A_75 {
      %dma_wait3A = arith.constant 0 : i32
      %dma_wait3A_80 = arith.constant 0 : i32
      %dma_wait3A_81 = tpu.memref_slice %arg4[%dma_wait3A, %dma_wait3A_80] : memref<1000064x128xf32, #tpu.memory_space<hbm>> -> memref<128x128xf32, #tpu.memory_space<hbm>>
      %dma_wait3A_82 = arith.constant 0 : i32
      %dma_wait3A_83 = arith.constant 0 : i32
      %dma_wait3A_84 = tpu.memref_slice %arg4[%dma_wait3A_82, %dma_wait3A_83] : memref<1000064x128xf32, #tpu.memory_space<hbm>> -> memref<128x128xf32, #tpu.memory_space<hbm>>
      tpu.wait_dma2 semaphore(%arg21 : memref<!tpu.dma_semaphore, #tpu.memory_space<semaphore_mem>>) src(%arg12 : memref<128x128xf32, #tpu.memory_space<vmem>>) dst(%dma_wait3A_84 : memref<128x128xf32, #tpu.memory_space<hbm>>)
    } else {
    }
    %eq3A = arith.constant 0 : i32
    %eq3A_76 = arith.cmpi eq, %add3A, %eq3A : i32
    %convert_element_type3A_77 = arith.extui %eq3A_76 : i1 to i32
    %cond3A_78 = arith.constant 0 : i32
    %cond3A_79 = arith.cmpi ne, %convert_element_type3A_77, %cond3A_78 : i32
    scf.if %cond3A_79 {
      "tpu.region"() ({
        %run_scoped3A = tpu.sem_alloc : memref<!tpu.dma_semaphore, #tpu.memory_space<semaphore_mem>>
        tpu.enqueue_dma source(%arg3 : memref<64x64xf32, #tpu.memory_space<hbm>>) target(%arg13 : memref<64x64xf32, #tpu.memory_space<vmem>>) target_semaphore(%run_scoped3A : memref<!tpu.dma_semaphore, #tpu.memory_space<semaphore_mem>>)
        tpu.wait_dma2 semaphore(%run_scoped3A : memref<!tpu.dma_semaphore, #tpu.memory_space<semaphore_mem>>) src(%arg3 : memref<64x64xf32, #tpu.memory_space<hbm>>) dst(%arg13 : memref<64x64xf32, #tpu.memory_space<vmem>>)
        tpu.yield
      }) : () -> ()
      "tpu.region"() ({
        %run_scoped3A = tpu.sem_alloc : memref<!tpu.dma_semaphore, #tpu.memory_space<semaphore_mem>>
        %dma_start3A = arith.constant 999936 : i32
        %dma_start3A_80 = arith.constant 0 : i32
        %dma_start3A_81 = tpu.memref_slice %arg4[%dma_start3A, %dma_start3A_80] : memref<1000064x128xf32, #tpu.memory_space<hbm>> -> memref<128x128xf32, #tpu.memory_space<hbm>>
        %dma_start3A_82 = arith.constant 999936 : i32
        %dma_start3A_83 = arith.constant 0 : i32
        %dma_start3A_84 = tpu.memref_slice %arg4[%dma_start3A_82, %dma_start3A_83] : memref<1000064x128xf32, #tpu.memory_space<hbm>> -> memref<128x128xf32, #tpu.memory_space<hbm>>
        tpu.enqueue_dma source(%arg9 : memref<128x128xf32, #tpu.memory_space<vmem>>) target(%dma_start3A_84 : memref<128x128xf32, #tpu.memory_space<hbm>>) target_semaphore(%run_scoped3A : memref<!tpu.dma_semaphore, #tpu.memory_space<semaphore_mem>>)
        %dma_wait3A = arith.constant 999936 : i32
        %dma_wait3A_85 = arith.constant 0 : i32
        %dma_wait3A_86 = tpu.memref_slice %arg4[%dma_wait3A, %dma_wait3A_85] : memref<1000064x128xf32, #tpu.memory_space<hbm>> -> memref<128x128xf32, #tpu.memory_space<hbm>>
        %dma_wait3A_87 = arith.constant 999936 : i32
        %dma_wait3A_88 = arith.constant 0 : i32
        %dma_wait3A_89 = tpu.memref_slice %arg4[%dma_wait3A_87, %dma_wait3A_88] : memref<1000064x128xf32, #tpu.memory_space<hbm>> -> memref<128x128xf32, #tpu.memory_space<hbm>>
        tpu.wait_dma2 semaphore(%run_scoped3A : memref<!tpu.dma_semaphore, #tpu.memory_space<semaphore_mem>>) src(%arg9 : memref<128x128xf32, #tpu.memory_space<vmem>>) dst(%dma_wait3A_89 : memref<128x128xf32, #tpu.memory_space<hbm>>)
        tpu.yield
      }) : () -> ()
    } else {
    }
    return
  }
}

#map = affine_map<(d0, d1) -> (0, 0)>
module attributes {stable_mosaic.version = 14 : i64} {
  func.func @sc_pool(%arg0: i32, %arg1: i32, %arg2: memref<200x4096xi32, #tpu.memory_space<hbm>>, %arg3: memref<1000064x128xf32, #tpu.memory_space<hbm>>, %arg4: memref<4096x64xf32, #tpu.memory_space<hbm>>, %arg5: memref<200x128xi32, #tpu.memory_space<vmem>>, %arg6: memref<128x128xf32, #tpu.memory_space<vmem>>, %arg7: memref<128x128xf32, #tpu.memory_space<vmem>>, %arg8: memref<128x128xf32, #tpu.memory_space<vmem>>, %arg9: memref<128x128xf32, #tpu.memory_space<vmem>>, %arg10: memref<128x64xf32, #tpu.memory_space<vmem>>, %arg11: memref<!tpu.dma_semaphore, #tpu.memory_space<semaphore_mem>>, %arg12: memref<!tpu.dma_semaphore, #tpu.memory_space<semaphore_mem>>, %arg13: memref<!tpu.dma_semaphore, #tpu.memory_space<semaphore_mem>>, %arg14: memref<!tpu.dma_semaphore, #tpu.memory_space<semaphore_mem>>) attributes {dimension_semantics = [#tpu.dimension_semantics<core_parallel>, #tpu.dimension_semantics<subcore_parallel>], iteration_bounds = array<i64: 2, 16>, scalar_prefetch = 0 : i64, scratch_operands = 10 : i64, tpu.core_type = #tpu.core_type<sc_vector_subcore>, window_params = [{transform_indices = #map}, {transform_indices = #map}, {transform_indices = #map}]} {
    %mul3A = arith.constant 2 : i32
    %mul3A_0 = arith.muli %arg1, %mul3A : i32
    %add3A = arith.addi %mul3A_0, %arg0 : i32
    %mul3A_1 = arith.constant 128 : i32
    %mul3A_2 = arith.muli %add3A, %mul3A_1 : i32
    "tpu.region"() ({
      %run_scoped3A = tpu.sem_alloc : memref<!tpu.dma_semaphore, #tpu.memory_space<semaphore_mem>>
      %dma_start3A_44 = arith.constant 0 : i32
      %dma_start3A_45 = tpu.memref_slice %arg2[%dma_start3A_44, %mul3A_2] : memref<200x4096xi32, #tpu.memory_space<hbm>> -> memref<200x128xi32, #tpu.memory_space<hbm>>
      %dma_start3A_46 = arith.constant 0 : i32
      %dma_start3A_47 = tpu.memref_slice %arg2[%dma_start3A_46, %mul3A_2] : memref<200x4096xi32, #tpu.memory_space<hbm>> -> memref<200x128xi32, #tpu.memory_space<hbm>>
      tpu.enqueue_dma source(%dma_start3A_47 : memref<200x128xi32, #tpu.memory_space<hbm>>) target(%arg5 : memref<200x128xi32, #tpu.memory_space<vmem>>) target_semaphore(%run_scoped3A : memref<!tpu.dma_semaphore, #tpu.memory_space<semaphore_mem>>)
      %dma_wait3A = arith.constant 0 : i32
      %dma_wait3A_48 = tpu.memref_slice %arg2[%dma_wait3A, %mul3A_2] : memref<200x4096xi32, #tpu.memory_space<hbm>> -> memref<200x128xi32, #tpu.memory_space<hbm>>
      %dma_wait3A_49 = arith.constant 0 : i32
      %dma_wait3A_50 = tpu.memref_slice %arg2[%dma_wait3A_49, %mul3A_2] : memref<200x4096xi32, #tpu.memory_space<hbm>> -> memref<200x128xi32, #tpu.memory_space<hbm>>
      tpu.wait_dma2 semaphore(%run_scoped3A : memref<!tpu.dma_semaphore, #tpu.memory_space<semaphore_mem>>) src(%dma_wait3A_50 : memref<200x128xi32, #tpu.memory_space<hbm>>) dst(%arg5 : memref<200x128xi32, #tpu.memory_space<vmem>>)
      tpu.yield
    }) : () -> ()
    %broadcast_in_dim3A = arith.constant 0.000000e+00 : f32
    %broadcast_in_dim3A_3 = vector.broadcast %broadcast_in_dim3A : f32 to vector<16xf32>
    %scan3A = arith.constant 0 : i32
    %scan3A_4 = arith.constant 0 : i32
    %scan3A_5 = arith.constant 128 : i32
    %scan3A_6 = arith.addi %scan3A_4, %scan3A_5 : i32
    %scan3A_7 = arith.constant 1 : i32
    %scan3A_8 = scf.for %scan3A_44 = %scan3A_4 to %scan3A_6 step %scan3A_7 iter_args(%scan3A_45 = %scan3A) -> (i32)  : i32 {
      %swap3A = arith.index_cast %scan3A_44 : i32 to index
      %swap3A_46 = arith.constant 0 : index
      %swap3A_47 = tpu.vector_load %arg10[%swap3A, %swap3A_46] {strides = array<i32>} : memref<128x64xf32, #tpu.memory_space<vmem>>, vector<1x16xf32>,
      %swap3A_48 = vector.shape_cast %swap3A_47 : vector<1x16xf32> to vector<16xf32>
      %swap3A_49 = vector.shape_cast %broadcast_in_dim3A_3 : vector<16xf32> to vector<1x16xf32>
      tpu.vector_store %arg10[%swap3A, %swap3A_46], %swap3A_49 {strides = array<i32>} : memref<128x64xf32, #tpu.memory_space<vmem>>, vector<1x16xf32>,
      %swap3A_50 = arith.index_cast %scan3A_44 : i32 to index
      %swap3A_51 = arith.constant 16 : index
      %swap3A_52 = tpu.vector_load %arg10[%swap3A_50, %swap3A_51] {strides = array<i32>} : memref<128x64xf32, #tpu.memory_space<vmem>>, vector<1x16xf32>,
      %swap3A_53 = vector.shape_cast %swap3A_52 : vector<1x16xf32> to vector<16xf32>
      %swap3A_54 = vector.shape_cast %broadcast_in_dim3A_3 : vector<16xf32> to vector<1x16xf32>
      tpu.vector_store %arg10[%swap3A_50, %swap3A_51], %swap3A_54 {strides = array<i32>} : memref<128x64xf32, #tpu.memory_space<vmem>>, vector<1x16xf32>,
      %swap3A_55 = arith.index_cast %scan3A_44 : i32 to index
      %swap3A_56 = arith.constant 32 : index
      %swap3A_57 = tpu.vector_load %arg10[%swap3A_55, %swap3A_56] {strides = array<i32>} : memref<128x64xf32, #tpu.memory_space<vmem>>, vector<1x16xf32>,
      %swap3A_58 = vector.shape_cast %swap3A_57 : vector<1x16xf32> to vector<16xf32>
      %swap3A_59 = vector.shape_cast %broadcast_in_dim3A_3 : vector<16xf32> to vector<1x16xf32>
      tpu.vector_store %arg10[%swap3A_55, %swap3A_56], %swap3A_59 {strides = array<i32>} : memref<128x64xf32, #tpu.memory_space<vmem>>, vector<1x16xf32>,
      %swap3A_60 = arith.index_cast %scan3A_44 : i32 to index
      %swap3A_61 = arith.constant 48 : index
      %swap3A_62 = tpu.vector_load %arg10[%swap3A_60, %swap3A_61] {strides = array<i32>} : memref<128x64xf32, #tpu.memory_space<vmem>>, vector<1x16xf32>,
      %swap3A_63 = vector.shape_cast %swap3A_62 : vector<1x16xf32> to vector<16xf32>
      %swap3A_64 = vector.shape_cast %broadcast_in_dim3A_3 : vector<16xf32> to vector<1x16xf32>
      tpu.vector_store %arg10[%swap3A_60, %swap3A_61], %swap3A_64 {strides = array<i32>} : memref<128x64xf32, #tpu.memory_space<vmem>>, vector<1x16xf32>,
      %scan3A_65 = arith.constant 0 : i32
      scf.yield %scan3A_65 : i32
    }
    %scan3A_9 = arith.constant 128 : i32
    %dma_start3A = arith.constant 0 : i32
    %dma_start3A_10 = arith.constant 0 : i32
    %dma_start3A_11 = tpu.memref_slice %arg5[%dma_start3A, %dma_start3A_10] : memref<200x128xi32, #tpu.memory_space<vmem>> -> memref<1x128xi32, #tpu.memory_space<vmem>>
    %dma_start3A_12 = tpu.memref_squeeze %dma_start3A_11 : memref<1x128xi32, #tpu.memory_space<vmem>> -> memref<128xi32, #tpu.memory_space<vmem>>
    %dma_start3A_13 = arith.constant 0 : i32
    %dma_start3A_14 = arith.constant 0 : i32
    %dma_start3A_15 = tpu.memref_slice %arg3[%dma_start3A_13, %dma_start3A_14] : memref<1000064x128xf32, #tpu.memory_space<hbm>> -> memref<1000064x128xf32, #tpu.memory_space<hbm>>
    tpu.enqueue_indirect_dma source(%dma_start3A_15 : memref<1000064x128xf32, #tpu.memory_space<hbm>>) target(%arg6 : memref<128x128xf32, #tpu.memory_space<vmem>>) offsets(%dma_start3A_12 : memref<128xi32, #tpu.memory_space<vmem>>) semaphore(%arg11 : memref<!tpu.dma_semaphore, #tpu.memory_space<semaphore_mem>>)
    %dma_start3A_16 = arith.constant 1 : i32
    %dma_start3A_17 = arith.constant 0 : i32
    %dma_start3A_18 = tpu.memref_slice %arg5[%dma_start3A_16, %dma_start3A_17] : memref<200x128xi32, #tpu.memory_space<vmem>> -> memref<1x128xi32, #tpu.memory_space<vmem>>
    %dma_start3A_19 = tpu.memref_squeeze %dma_start3A_18 : memref<1x128xi32, #tpu.memory_space<vmem>> -> memref<128xi32, #tpu.memory_space<vmem>>
    %dma_start3A_20 = arith.constant 0 : i32
    %dma_start3A_21 = arith.constant 0 : i32
    %dma_start3A_22 = tpu.memref_slice %arg3[%dma_start3A_20, %dma_start3A_21] : memref<1000064x128xf32, #tpu.memory_space<hbm>> -> memref<1000064x128xf32, #tpu.memory_space<hbm>>
    tpu.enqueue_indirect_dma source(%dma_start3A_22 : memref<1000064x128xf32, #tpu.memory_space<hbm>>) target(%arg7 : memref<128x128xf32, #tpu.memory_space<vmem>>) offsets(%dma_start3A_19 : memref<128xi32, #tpu.memory_space<vmem>>) semaphore(%arg12 : memref<!tpu.dma_semaphore, #tpu.memory_space<semaphore_mem>>)
    %dma_start3A_23 = arith.constant 2 : i32
    %dma_start3A_24 = arith.constant 0 : i32
    %dma_start3A_25 = tpu.memref_slice %arg5[%dma_start3A_23, %dma_start3A_24] : memref<200x128xi32, #tpu.memory_space<vmem>> -> memref<1x128xi32, #tpu.memory_space<vmem>>
    %dma_start3A_26 = tpu.memref_squeeze %dma_start3A_25 : memref<1x128xi32, #tpu.memory_space<vmem>> -> memref<128xi32, #tpu.memory_space<vmem>>
    %dma_start3A_27 = arith.constant 0 : i32
    %dma_start3A_28 = arith.constant 0 : i32
    %dma_start3A_29 = tpu.memref_slice %arg3[%dma_start3A_27, %dma_start3A_28] : memref<1000064x128xf32, #tpu.memory_space<hbm>> -> memref<1000064x128xf32, #tpu.memory_space<hbm>>
    tpu.enqueue_indirect_dma source(%dma_start3A_29 : memref<1000064x128xf32, #tpu.memory_space<hbm>>) target(%arg8 : memref<128x128xf32, #tpu.memory_space<vmem>>) offsets(%dma_start3A_26 : memref<128xi32, #tpu.memory_space<vmem>>) semaphore(%arg13 : memref<!tpu.dma_semaphore, #tpu.memory_space<semaphore_mem>>)
    %dma_start3A_30 = arith.constant 3 : i32
    %dma_start3A_31 = arith.constant 0 : i32
    %dma_start3A_32 = tpu.memref_slice %arg5[%dma_start3A_30, %dma_start3A_31] : memref<200x128xi32, #tpu.memory_space<vmem>> -> memref<1x128xi32, #tpu.memory_space<vmem>>
    %dma_start3A_33 = tpu.memref_squeeze %dma_start3A_32 : memref<1x128xi32, #tpu.memory_space<vmem>> -> memref<128xi32, #tpu.memory_space<vmem>>
    %dma_start3A_34 = arith.constant 0 : i32
    %dma_start3A_35 = arith.constant 0 : i32
    %dma_start3A_36 = tpu.memref_slice %arg3[%dma_start3A_34, %dma_start3A_35] : memref<1000064x128xf32, #tpu.memory_space<hbm>> -> memref<1000064x128xf32, #tpu.memory_space<hbm>>
    tpu.enqueue_indirect_dma source(%dma_start3A_36 : memref<1000064x128xf32, #tpu.memory_space<hbm>>) target(%arg9 : memref<128x128xf32, #tpu.memory_space<vmem>>) offsets(%dma_start3A_33 : memref<128xi32, #tpu.memory_space<vmem>>) semaphore(%arg14 : memref<!tpu.dma_semaphore, #tpu.memory_space<semaphore_mem>>)
    %scan3A_37 = arith.constant 0 : i32
    %scan3A_38 = arith.constant 0 : i32
    %scan3A_39 = arith.constant 50 : i32
    %scan3A_40 = arith.addi %scan3A_38, %scan3A_39 : i32
    %scan3A_41 = arith.constant 1 : i32
    %scan3A_42 = scf.for %scan3A_44 = %scan3A_38 to %scan3A_40 step %scan3A_41 iter_args(%scan3A_45 = %scan3A_37) -> (i32)  : i32 {
      %mul3A_46 = arith.constant 4 : i32
      %mul3A_47 = arith.muli %mul3A_46, %scan3A_44 : i32
      %dma_wait3A = arith.constant 0 : i32
      %dma_wait3A_48 = arith.constant 0 : i32
      %dma_wait3A_49 = tpu.memref_slice %arg3[%dma_wait3A, %dma_wait3A_48] : memref<1000064x128xf32, #tpu.memory_space<hbm>> -> memref<128x128xf32, #tpu.memory_space<hbm>>
      %dma_wait3A_50 = arith.constant 0 : i32
      %dma_wait3A_51 = arith.constant 0 : i32
      %dma_wait3A_52 = tpu.memref_slice %arg3[%dma_wait3A_50, %dma_wait3A_51] : memref<1000064x128xf32, #tpu.memory_space<hbm>> -> memref<128x128xf32, #tpu.memory_space<hbm>>
      tpu.wait_dma2 semaphore(%arg11 : memref<!tpu.dma_semaphore, #tpu.memory_space<semaphore_mem>>) src(%dma_wait3A_52 : memref<128x128xf32, #tpu.memory_space<hbm>>) dst(%arg6 : memref<128x128xf32, #tpu.memory_space<vmem>>)
      %scan3A_53 = arith.constant 0 : i32
      %scan3A_54 = arith.constant 0 : i32
      %scan3A_55 = arith.constant 32 : i32
      %scan3A_56 = arith.addi %scan3A_54, %scan3A_55 : i32
      %scan3A_57 = arith.constant 1 : i32
      %scan3A_58 = scf.for %scan3A_133 = %scan3A_54 to %scan3A_56 step %scan3A_57 iter_args(%scan3A_134 = %scan3A_53) -> (i32)  : i32 {
        %mul3A_135 = arith.constant 4 : i32
        %mul3A_136 = arith.muli %scan3A_133, %mul3A_135 : i32
        %add3A_137 = arith.constant 0 : i32
        %add3A_138 = arith.addi %mul3A_136, %add3A_137 : i32
        %add3A_139 = arith.constant 0 : i32
        %add3A_140 = arith.addi %mul3A_136, %add3A_139 : i32
        %get3A = arith.index_cast %add3A_140 : i32 to index
        %get3A_141 = arith.constant 0 : index
        %get3A_142 = tpu.vector_load %arg6[%get3A, %get3A_141] {strides = array<i32>} : memref<128x128xf32, #tpu.memory_space<vmem>>, vector<1x16xf32>,
        %get3A_143 = vector.shape_cast %get3A_142 : vector<1x16xf32> to vector<16xf32>
        %swap3A = arith.index_cast %add3A_138 : i32 to index
        %swap3A_144 = arith.constant 0 : index
        %swap3A_145 = tpu.vector_load %arg10[%swap3A, %swap3A_144] {strides = array<i32>} : memref<128x64xf32, #tpu.memory_space<vmem>>, vector<1x16xf32>,
        %swap3A_146 = vector.shape_cast %swap3A_145 : vector<1x16xf32> to vector<16xf32>
        %swap3A_147 = vector.shape_cast %get3A_143 : vector<16xf32> to vector<1x16xf32>
        tpu.vector_store %arg10[%swap3A, %swap3A_144], %swap3A_147 {add = true, strides = array<i32>} : memref<128x64xf32, #tpu.memory_space<vmem>>, vector<1x16xf32>,
        %add3A_148 = arith.constant 0 : i32
        %add3A_149 = arith.addi %mul3A_136, %add3A_148 : i32
        %add3A_150 = arith.constant 0 : i32
        %add3A_151 = arith.addi %mul3A_136, %add3A_150 : i32
        %get3A_152 = arith.index_cast %add3A_151 : i32 to index
        %get3A_153 = arith.constant 16 : index
        %get3A_154 = tpu.vector_load %arg6[%get3A_152, %get3A_153] {strides = array<i32>} : memref<128x128xf32, #tpu.memory_space<vmem>>, vector<1x16xf32>,
        %get3A_155 = vector.shape_cast %get3A_154 : vector<1x16xf32> to vector<16xf32>
        %swap3A_156 = arith.index_cast %add3A_149 : i32 to index
        %swap3A_157 = arith.constant 16 : index
        %swap3A_158 = tpu.vector_load %arg10[%swap3A_156, %swap3A_157] {strides = array<i32>} : memref<128x64xf32, #tpu.memory_space<vmem>>, vector<1x16xf32>,
        %swap3A_159 = vector.shape_cast %swap3A_158 : vector<1x16xf32> to vector<16xf32>
        %swap3A_160 = vector.shape_cast %get3A_155 : vector<16xf32> to vector<1x16xf32>
        tpu.vector_store %arg10[%swap3A_156, %swap3A_157], %swap3A_160 {add = true, strides = array<i32>} : memref<128x64xf32, #tpu.memory_space<vmem>>, vector<1x16xf32>,
        %add3A_161 = arith.constant 0 : i32
        %add3A_162 = arith.addi %mul3A_136, %add3A_161 : i32
        %add3A_163 = arith.constant 0 : i32
        %add3A_164 = arith.addi %mul3A_136, %add3A_163 : i32
        %get3A_165 = arith.index_cast %add3A_164 : i32 to index
        %get3A_166 = arith.constant 32 : index
        %get3A_167 = tpu.vector_load %arg6[%get3A_165, %get3A_166] {strides = array<i32>} : memref<128x128xf32, #tpu.memory_space<vmem>>, vector<1x16xf32>,
        %get3A_168 = vector.shape_cast %get3A_167 : vector<1x16xf32> to vector<16xf32>
        %swap3A_169 = arith.index_cast %add3A_162 : i32 to index
        %swap3A_170 = arith.constant 32 : index
        %swap3A_171 = tpu.vector_load %arg10[%swap3A_169, %swap3A_170] {strides = array<i32>} : memref<128x64xf32, #tpu.memory_space<vmem>>, vector<1x16xf32>,
        %swap3A_172 = vector.shape_cast %swap3A_171 : vector<1x16xf32> to vector<16xf32>
        %swap3A_173 = vector.shape_cast %get3A_168 : vector<16xf32> to vector<1x16xf32>
        tpu.vector_store %arg10[%swap3A_169, %swap3A_170], %swap3A_173 {add = true, strides = array<i32>} : memref<128x64xf32, #tpu.memory_space<vmem>>, vector<1x16xf32>,
        %add3A_174 = arith.constant 0 : i32
        %add3A_175 = arith.addi %mul3A_136, %add3A_174 : i32
        %add3A_176 = arith.constant 0 : i32
        %add3A_177 = arith.addi %mul3A_136, %add3A_176 : i32
        %get3A_178 = arith.index_cast %add3A_177 : i32 to index
        %get3A_179 = arith.constant 48 : index
        %get3A_180 = tpu.vector_load %arg6[%get3A_178, %get3A_179] {strides = array<i32>} : memref<128x128xf32, #tpu.memory_space<vmem>>, vector<1x16xf32>,
        %get3A_181 = vector.shape_cast %get3A_180 : vector<1x16xf32> to vector<16xf32>
        %swap3A_182 = arith.index_cast %add3A_175 : i32 to index
        %swap3A_183 = arith.constant 48 : index
        %swap3A_184 = tpu.vector_load %arg10[%swap3A_182, %swap3A_183] {strides = array<i32>} : memref<128x64xf32, #tpu.memory_space<vmem>>, vector<1x16xf32>,
        %swap3A_185 = vector.shape_cast %swap3A_184 : vector<1x16xf32> to vector<16xf32>
        %swap3A_186 = vector.shape_cast %get3A_181 : vector<16xf32> to vector<1x16xf32>
        tpu.vector_store %arg10[%swap3A_182, %swap3A_183], %swap3A_186 {add = true, strides = array<i32>} : memref<128x64xf32, #tpu.memory_space<vmem>>, vector<1x16xf32>,
        %add3A_187 = arith.constant 1 : i32
        %add3A_188 = arith.addi %mul3A_136, %add3A_187 : i32
        %add3A_189 = arith.constant 1 : i32
        %add3A_190 = arith.addi %mul3A_136, %add3A_189 : i32
        %get3A_191 = arith.index_cast %add3A_190 : i32 to index
        %get3A_192 = arith.constant 0 : index
        %get3A_193 = tpu.vector_load %arg6[%get3A_191, %get3A_192] {strides = array<i32>} : memref<128x128xf32, #tpu.memory_space<vmem>>, vector<1x16xf32>,
        %get3A_194 = vector.shape_cast %get3A_193 : vector<1x16xf32> to vector<16xf32>
        %swap3A_195 = arith.index_cast %add3A_188 : i32 to index
        %swap3A_196 = arith.constant 0 : index
        %swap3A_197 = tpu.vector_load %arg10[%swap3A_195, %swap3A_196] {strides = array<i32>} : memref<128x64xf32, #tpu.memory_space<vmem>>, vector<1x16xf32>,
        %swap3A_198 = vector.shape_cast %swap3A_197 : vector<1x16xf32> to vector<16xf32>
        %swap3A_199 = vector.shape_cast %get3A_194 : vector<16xf32> to vector<1x16xf32>
        tpu.vector_store %arg10[%swap3A_195, %swap3A_196], %swap3A_199 {add = true, strides = array<i32>} : memref<128x64xf32, #tpu.memory_space<vmem>>, vector<1x16xf32>,
        %add3A_200 = arith.constant 1 : i32
        %add3A_201 = arith.addi %mul3A_136, %add3A_200 : i32
        %add3A_202 = arith.constant 1 : i32
        %add3A_203 = arith.addi %mul3A_136, %add3A_202 : i32
        %get3A_204 = arith.index_cast %add3A_203 : i32 to index
        %get3A_205 = arith.constant 16 : index
        %get3A_206 = tpu.vector_load %arg6[%get3A_204, %get3A_205] {strides = array<i32>} : memref<128x128xf32, #tpu.memory_space<vmem>>, vector<1x16xf32>,
        %get3A_207 = vector.shape_cast %get3A_206 : vector<1x16xf32> to vector<16xf32>
        %swap3A_208 = arith.index_cast %add3A_201 : i32 to index
        %swap3A_209 = arith.constant 16 : index
        %swap3A_210 = tpu.vector_load %arg10[%swap3A_208, %swap3A_209] {strides = array<i32>} : memref<128x64xf32, #tpu.memory_space<vmem>>, vector<1x16xf32>,
        %swap3A_211 = vector.shape_cast %swap3A_210 : vector<1x16xf32> to vector<16xf32>
        %swap3A_212 = vector.shape_cast %get3A_207 : vector<16xf32> to vector<1x16xf32>
        tpu.vector_store %arg10[%swap3A_208, %swap3A_209], %swap3A_212 {add = true, strides = array<i32>} : memref<128x64xf32, #tpu.memory_space<vmem>>, vector<1x16xf32>,
        %add3A_213 = arith.constant 1 : i32
        %add3A_214 = arith.addi %mul3A_136, %add3A_213 : i32
        %add3A_215 = arith.constant 1 : i32
        %add3A_216 = arith.addi %mul3A_136, %add3A_215 : i32
        %get3A_217 = arith.index_cast %add3A_216 : i32 to index
        %get3A_218 = arith.constant 32 : index
        %get3A_219 = tpu.vector_load %arg6[%get3A_217, %get3A_218] {strides = array<i32>} : memref<128x128xf32, #tpu.memory_space<vmem>>, vector<1x16xf32>,
        %get3A_220 = vector.shape_cast %get3A_219 : vector<1x16xf32> to vector<16xf32>
        %swap3A_221 = arith.index_cast %add3A_214 : i32 to index
        %swap3A_222 = arith.constant 32 : index
        %swap3A_223 = tpu.vector_load %arg10[%swap3A_221, %swap3A_222] {strides = array<i32>} : memref<128x64xf32, #tpu.memory_space<vmem>>, vector<1x16xf32>,
        %swap3A_224 = vector.shape_cast %swap3A_223 : vector<1x16xf32> to vector<16xf32>
        %swap3A_225 = vector.shape_cast %get3A_220 : vector<16xf32> to vector<1x16xf32>
        tpu.vector_store %arg10[%swap3A_221, %swap3A_222], %swap3A_225 {add = true, strides = array<i32>} : memref<128x64xf32, #tpu.memory_space<vmem>>, vector<1x16xf32>,
        %add3A_226 = arith.constant 1 : i32
        %add3A_227 = arith.addi %mul3A_136, %add3A_226 : i32
        %add3A_228 = arith.constant 1 : i32
        %add3A_229 = arith.addi %mul3A_136, %add3A_228 : i32
        %get3A_230 = arith.index_cast %add3A_229 : i32 to index
        %get3A_231 = arith.constant 48 : index
        %get3A_232 = tpu.vector_load %arg6[%get3A_230, %get3A_231] {strides = array<i32>} : memref<128x128xf32, #tpu.memory_space<vmem>>, vector<1x16xf32>,
        %get3A_233 = vector.shape_cast %get3A_232 : vector<1x16xf32> to vector<16xf32>
        %swap3A_234 = arith.index_cast %add3A_227 : i32 to index
        %swap3A_235 = arith.constant 48 : index
        %swap3A_236 = tpu.vector_load %arg10[%swap3A_234, %swap3A_235] {strides = array<i32>} : memref<128x64xf32, #tpu.memory_space<vmem>>, vector<1x16xf32>,
        %swap3A_237 = vector.shape_cast %swap3A_236 : vector<1x16xf32> to vector<16xf32>
        %swap3A_238 = vector.shape_cast %get3A_233 : vector<16xf32> to vector<1x16xf32>
        tpu.vector_store %arg10[%swap3A_234, %swap3A_235], %swap3A_238 {add = true, strides = array<i32>} : memref<128x64xf32, #tpu.memory_space<vmem>>, vector<1x16xf32>,
        %add3A_239 = arith.constant 2 : i32
        %add3A_240 = arith.addi %mul3A_136, %add3A_239 : i32
        %add3A_241 = arith.constant 2 : i32
        %add3A_242 = arith.addi %mul3A_136, %add3A_241 : i32
        %get3A_243 = arith.index_cast %add3A_242 : i32 to index
        %get3A_244 = arith.constant 0 : index
        %get3A_245 = tpu.vector_load %arg6[%get3A_243, %get3A_244] {strides = array<i32>} : memref<128x128xf32, #tpu.memory_space<vmem>>, vector<1x16xf32>,
        %get3A_246 = vector.shape_cast %get3A_245 : vector<1x16xf32> to vector<16xf32>
        %swap3A_247 = arith.index_cast %add3A_240 : i32 to index
        %swap3A_248 = arith.constant 0 : index
        %swap3A_249 = tpu.vector_load %arg10[%swap3A_247, %swap3A_248] {strides = array<i32>} : memref<128x64xf32, #tpu.memory_space<vmem>>, vector<1x16xf32>,
        %swap3A_250 = vector.shape_cast %swap3A_249 : vector<1x16xf32> to vector<16xf32>
        %swap3A_251 = vector.shape_cast %get3A_246 : vector<16xf32> to vector<1x16xf32>
        tpu.vector_store %arg10[%swap3A_247, %swap3A_248], %swap3A_251 {add = true, strides = array<i32>} : memref<128x64xf32, #tpu.memory_space<vmem>>, vector<1x16xf32>,
        %add3A_252 = arith.constant 2 : i32
        %add3A_253 = arith.addi %mul3A_136, %add3A_252 : i32
        %add3A_254 = arith.constant 2 : i32
        %add3A_255 = arith.addi %mul3A_136, %add3A_254 : i32
        %get3A_256 = arith.index_cast %add3A_255 : i32 to index
        %get3A_257 = arith.constant 16 : index
        %get3A_258 = tpu.vector_load %arg6[%get3A_256, %get3A_257] {strides = array<i32>} : memref<128x128xf32, #tpu.memory_space<vmem>>, vector<1x16xf32>,
        %get3A_259 = vector.shape_cast %get3A_258 : vector<1x16xf32> to vector<16xf32>
        %swap3A_260 = arith.index_cast %add3A_253 : i32 to index
        %swap3A_261 = arith.constant 16 : index
        %swap3A_262 = tpu.vector_load %arg10[%swap3A_260, %swap3A_261] {strides = array<i32>} : memref<128x64xf32, #tpu.memory_space<vmem>>, vector<1x16xf32>,
        %swap3A_263 = vector.shape_cast %swap3A_262 : vector<1x16xf32> to vector<16xf32>
        %swap3A_264 = vector.shape_cast %get3A_259 : vector<16xf32> to vector<1x16xf32>
        tpu.vector_store %arg10[%swap3A_260, %swap3A_261], %swap3A_264 {add = true, strides = array<i32>} : memref<128x64xf32, #tpu.memory_space<vmem>>, vector<1x16xf32>,
        %add3A_265 = arith.constant 2 : i32
        %add3A_266 = arith.addi %mul3A_136, %add3A_265 : i32
        %add3A_267 = arith.constant 2 : i32
        %add3A_268 = arith.addi %mul3A_136, %add3A_267 : i32
        %get3A_269 = arith.index_cast %add3A_268 : i32 to index
        %get3A_270 = arith.constant 32 : index
        %get3A_271 = tpu.vector_load %arg6[%get3A_269, %get3A_270] {strides = array<i32>} : memref<128x128xf32, #tpu.memory_space<vmem>>, vector<1x16xf32>,
        %get3A_272 = vector.shape_cast %get3A_271 : vector<1x16xf32> to vector<16xf32>
        %swap3A_273 = arith.index_cast %add3A_266 : i32 to index
        %swap3A_274 = arith.constant 32 : index
        %swap3A_275 = tpu.vector_load %arg10[%swap3A_273, %swap3A_274] {strides = array<i32>} : memref<128x64xf32, #tpu.memory_space<vmem>>, vector<1x16xf32>,
        %swap3A_276 = vector.shape_cast %swap3A_275 : vector<1x16xf32> to vector<16xf32>
        %swap3A_277 = vector.shape_cast %get3A_272 : vector<16xf32> to vector<1x16xf32>
        tpu.vector_store %arg10[%swap3A_273, %swap3A_274], %swap3A_277 {add = true, strides = array<i32>} : memref<128x64xf32, #tpu.memory_space<vmem>>, vector<1x16xf32>,
        %add3A_278 = arith.constant 2 : i32
        %add3A_279 = arith.addi %mul3A_136, %add3A_278 : i32
        %add3A_280 = arith.constant 2 : i32
        %add3A_281 = arith.addi %mul3A_136, %add3A_280 : i32
        %get3A_282 = arith.index_cast %add3A_281 : i32 to index
        %get3A_283 = arith.constant 48 : index
        %get3A_284 = tpu.vector_load %arg6[%get3A_282, %get3A_283] {strides = array<i32>} : memref<128x128xf32, #tpu.memory_space<vmem>>, vector<1x16xf32>,
        %get3A_285 = vector.shape_cast %get3A_284 : vector<1x16xf32> to vector<16xf32>
        %swap3A_286 = arith.index_cast %add3A_279 : i32 to index
        %swap3A_287 = arith.constant 48 : index
        %swap3A_288 = tpu.vector_load %arg10[%swap3A_286, %swap3A_287] {strides = array<i32>} : memref<128x64xf32, #tpu.memory_space<vmem>>, vector<1x16xf32>,
        %swap3A_289 = vector.shape_cast %swap3A_288 : vector<1x16xf32> to vector<16xf32>
        %swap3A_290 = vector.shape_cast %get3A_285 : vector<16xf32> to vector<1x16xf32>
        tpu.vector_store %arg10[%swap3A_286, %swap3A_287], %swap3A_290 {add = true, strides = array<i32>} : memref<128x64xf32, #tpu.memory_space<vmem>>, vector<1x16xf32>,
        %add3A_291 = arith.constant 3 : i32
        %add3A_292 = arith.addi %mul3A_136, %add3A_291 : i32
        %add3A_293 = arith.constant 3 : i32
        %add3A_294 = arith.addi %mul3A_136, %add3A_293 : i32
        %get3A_295 = arith.index_cast %add3A_294 : i32 to index
        %get3A_296 = arith.constant 0 : index
        %get3A_297 = tpu.vector_load %arg6[%get3A_295, %get3A_296] {strides = array<i32>} : memref<128x128xf32, #tpu.memory_space<vmem>>, vector<1x16xf32>,
        %get3A_298 = vector.shape_cast %get3A_297 : vector<1x16xf32> to vector<16xf32>
        %swap3A_299 = arith.index_cast %add3A_292 : i32 to index
        %swap3A_300 = arith.constant 0 : index
        %swap3A_301 = tpu.vector_load %arg10[%swap3A_299, %swap3A_300] {strides = array<i32>} : memref<128x64xf32, #tpu.memory_space<vmem>>, vector<1x16xf32>,
        %swap3A_302 = vector.shape_cast %swap3A_301 : vector<1x16xf32> to vector<16xf32>
        %swap3A_303 = vector.shape_cast %get3A_298 : vector<16xf32> to vector<1x16xf32>
        tpu.vector_store %arg10[%swap3A_299, %swap3A_300], %swap3A_303 {add = true, strides = array<i32>} : memref<128x64xf32, #tpu.memory_space<vmem>>, vector<1x16xf32>,
        %add3A_304 = arith.constant 3 : i32
        %add3A_305 = arith.addi %mul3A_136, %add3A_304 : i32
        %add3A_306 = arith.constant 3 : i32
        %add3A_307 = arith.addi %mul3A_136, %add3A_306 : i32
        %get3A_308 = arith.index_cast %add3A_307 : i32 to index
        %get3A_309 = arith.constant 16 : index
        %get3A_310 = tpu.vector_load %arg6[%get3A_308, %get3A_309] {strides = array<i32>} : memref<128x128xf32, #tpu.memory_space<vmem>>, vector<1x16xf32>,
        %get3A_311 = vector.shape_cast %get3A_310 : vector<1x16xf32> to vector<16xf32>
        %swap3A_312 = arith.index_cast %add3A_305 : i32 to index
        %swap3A_313 = arith.constant 16 : index
        %swap3A_314 = tpu.vector_load %arg10[%swap3A_312, %swap3A_313] {strides = array<i32>} : memref<128x64xf32, #tpu.memory_space<vmem>>, vector<1x16xf32>,
        %swap3A_315 = vector.shape_cast %swap3A_314 : vector<1x16xf32> to vector<16xf32>
        %swap3A_316 = vector.shape_cast %get3A_311 : vector<16xf32> to vector<1x16xf32>
        tpu.vector_store %arg10[%swap3A_312, %swap3A_313], %swap3A_316 {add = true, strides = array<i32>} : memref<128x64xf32, #tpu.memory_space<vmem>>, vector<1x16xf32>,
        %add3A_317 = arith.constant 3 : i32
        %add3A_318 = arith.addi %mul3A_136, %add3A_317 : i32
        %add3A_319 = arith.constant 3 : i32
        %add3A_320 = arith.addi %mul3A_136, %add3A_319 : i32
        %get3A_321 = arith.index_cast %add3A_320 : i32 to index
        %get3A_322 = arith.constant 32 : index
        %get3A_323 = tpu.vector_load %arg6[%get3A_321, %get3A_322] {strides = array<i32>} : memref<128x128xf32, #tpu.memory_space<vmem>>, vector<1x16xf32>,
        %get3A_324 = vector.shape_cast %get3A_323 : vector<1x16xf32> to vector<16xf32>
        %swap3A_325 = arith.index_cast %add3A_318 : i32 to index
        %swap3A_326 = arith.constant 32 : index
        %swap3A_327 = tpu.vector_load %arg10[%swap3A_325, %swap3A_326] {strides = array<i32>} : memref<128x64xf32, #tpu.memory_space<vmem>>, vector<1x16xf32>,
        %swap3A_328 = vector.shape_cast %swap3A_327 : vector<1x16xf32> to vector<16xf32>
        %swap3A_329 = vector.shape_cast %get3A_324 : vector<16xf32> to vector<1x16xf32>
        tpu.vector_store %arg10[%swap3A_325, %swap3A_326], %swap3A_329 {add = true, strides = array<i32>} : memref<128x64xf32, #tpu.memory_space<vmem>>, vector<1x16xf32>,
        %add3A_330 = arith.constant 3 : i32
        %add3A_331 = arith.addi %mul3A_136, %add3A_330 : i32
        %add3A_332 = arith.constant 3 : i32
        %add3A_333 = arith.addi %mul3A_136, %add3A_332 : i32
        %get3A_334 = arith.index_cast %add3A_333 : i32 to index
        %get3A_335 = arith.constant 48 : index
        %get3A_336 = tpu.vector_load %arg6[%get3A_334, %get3A_335] {strides = array<i32>} : memref<128x128xf32, #tpu.memory_space<vmem>>, vector<1x16xf32>,
        %get3A_337 = vector.shape_cast %get3A_336 : vector<1x16xf32> to vector<16xf32>
        %swap3A_338 = arith.index_cast %add3A_331 : i32 to index
        %swap3A_339 = arith.constant 48 : index
        %swap3A_340 = tpu.vector_load %arg10[%swap3A_338, %swap3A_339] {strides = array<i32>} : memref<128x64xf32, #tpu.memory_space<vmem>>, vector<1x16xf32>,
        %swap3A_341 = vector.shape_cast %swap3A_340 : vector<1x16xf32> to vector<16xf32>
        %swap3A_342 = vector.shape_cast %get3A_337 : vector<16xf32> to vector<1x16xf32>
        tpu.vector_store %arg10[%swap3A_338, %swap3A_339], %swap3A_342 {add = true, strides = array<i32>} : memref<128x64xf32, #tpu.memory_space<vmem>>, vector<1x16xf32>,
        %scan3A_343 = arith.constant 0 : i32
        scf.yield %scan3A_343 : i32
      }
      %scan3A_59 = arith.constant 32 : i32
      %add3A_60 = arith.constant 0 : i32
      %add3A_61 = arith.addi %mul3A_47, %add3A_60 : i32
      %add3A_62 = arith.constant 4 : i32
      %add3A_63 = arith.addi %add3A_61, %add3A_62 : i32
      %lt3A = arith.constant 200 : i32
      %lt3A_64 = arith.cmpi slt, %add3A_63, %lt3A : i32
      %convert_element_type3A = arith.extui %lt3A_64 : i1 to i32
      %cond3A = arith.constant 0 : i32
      %cond3A_65 = arith.cmpi ne, %convert_element_type3A, %cond3A : i32
      scf.if %cond3A_65 {
        %add3A_133 = arith.constant 0 : i32
        %add3A_134 = arith.addi %mul3A_47, %add3A_133 : i32
        %add3A_135 = arith.constant 4 : i32
        %add3A_136 = arith.addi %add3A_134, %add3A_135 : i32
        %dma_start3A_137 = arith.constant 0 : i32
        %dma_start3A_138 = tpu.memref_slice %arg5[%add3A_136, %dma_start3A_137] : memref<200x128xi32, #tpu.memory_space<vmem>> -> memref<1x128xi32, #tpu.memory_space<vmem>>
        %dma_start3A_139 = tpu.memref_squeeze %dma_start3A_138 : memref<1x128xi32, #tpu.memory_space<vmem>> -> memref<128xi32, #tpu.memory_space<vmem>>
        %dma_start3A_140 = arith.constant 0 : i32
        %dma_start3A_141 = arith.constant 0 : i32
        %dma_start3A_142 = tpu.memref_slice %arg3[%dma_start3A_140, %dma_start3A_141] : memref<1000064x128xf32, #tpu.memory_space<hbm>> -> memref<1000064x128xf32, #tpu.memory_space<hbm>>
        tpu.enqueue_indirect_dma source(%dma_start3A_142 : memref<1000064x128xf32, #tpu.memory_space<hbm>>) target(%arg6 : memref<128x128xf32, #tpu.memory_space<vmem>>) offsets(%dma_start3A_139 : memref<128xi32, #tpu.memory_space<vmem>>) semaphore(%arg11 : memref<!tpu.dma_semaphore, #tpu.memory_space<semaphore_mem>>)
      } else {
      }
      %dma_wait3A_66 = arith.constant 0 : i32
      %dma_wait3A_67 = arith.constant 0 : i32
      %dma_wait3A_68 = tpu.memref_slice %arg3[%dma_wait3A_66, %dma_wait3A_67] : memref<1000064x128xf32, #tpu.memory_space<hbm>> -> memref<128x128xf32, #tpu.memory_space<hbm>>
      %dma_wait3A_69 = arith.constant 0 : i32
      %dma_wait3A_70 = arith.constant 0 : i32
      %dma_wait3A_71 = tpu.memref_slice %arg3[%dma_wait3A_69, %dma_wait3A_70] : memref<1000064x128xf32, #tpu.memory_space<hbm>> -> memref<128x128xf32, #tpu.memory_space<hbm>>
      tpu.wait_dma2 semaphore(%arg12 : memref<!tpu.dma_semaphore, #tpu.memory_space<semaphore_mem>>) src(%dma_wait3A_71 : memref<128x128xf32, #tpu.memory_space<hbm>>) dst(%arg7 : memref<128x128xf32, #tpu.memory_space<vmem>>)
      %scan3A_72 = arith.constant 0 : i32
      %scan3A_73 = arith.constant 0 : i32
      %scan3A_74 = arith.constant 32 : i32
      %scan3A_75 = arith.addi %scan3A_73, %scan3A_74 : i32
      %scan3A_76 = arith.constant 1 : i32
      %scan3A_77 = scf.for %scan3A_133 = %scan3A_73 to %scan3A_75 step %scan3A_76 iter_args(%scan3A_134 = %scan3A_72) -> (i32)  : i32 {
        %mul3A_135 = arith.constant 4 : i32
        %mul3A_136 = arith.muli %scan3A_133, %mul3A_135 : i32
        %add3A_137 = arith.constant 0 : i32
        %add3A_138 = arith.addi %mul3A_136, %add3A_137 : i32
        %add3A_139 = arith.constant 0 : i32
        %add3A_140 = arith.addi %mul3A_136, %add3A_139 : i32
        %get3A = arith.index_cast %add3A_140 : i32 to index
        %get3A_141 = arith.constant 0 : index
        %get3A_142 = tpu.vector_load %arg7[%get3A, %get3A_141] {strides = array<i32>} : memref<128x128xf32, #tpu.memory_space<vmem>>, vector<1x16xf32>,
        %get3A_143 = vector.shape_cast %get3A_142 : vector<1x16xf32> to vector<16xf32>
        %swap3A = arith.index_cast %add3A_138 : i32 to index
        %swap3A_144 = arith.constant 0 : index
        %swap3A_145 = tpu.vector_load %arg10[%swap3A, %swap3A_144] {strides = array<i32>} : memref<128x64xf32, #tpu.memory_space<vmem>>, vector<1x16xf32>,
        %swap3A_146 = vector.shape_cast %swap3A_145 : vector<1x16xf32> to vector<16xf32>
        %swap3A_147 = vector.shape_cast %get3A_143 : vector<16xf32> to vector<1x16xf32>
        tpu.vector_store %arg10[%swap3A, %swap3A_144], %swap3A_147 {add = true, strides = array<i32>} : memref<128x64xf32, #tpu.memory_space<vmem>>, vector<1x16xf32>,
        %add3A_148 = arith.constant 0 : i32
        %add3A_149 = arith.addi %mul3A_136, %add3A_148 : i32
        %add3A_150 = arith.constant 0 : i32
        %add3A_151 = arith.addi %mul3A_136, %add3A_150 : i32
        %get3A_152 = arith.index_cast %add3A_151 : i32 to index
        %get3A_153 = arith.constant 16 : index
        %get3A_154 = tpu.vector_load %arg7[%get3A_152, %get3A_153] {strides = array<i32>} : memref<128x128xf32, #tpu.memory_space<vmem>>, vector<1x16xf32>,
        %get3A_155 = vector.shape_cast %get3A_154 : vector<1x16xf32> to vector<16xf32>
        %swap3A_156 = arith.index_cast %add3A_149 : i32 to index
        %swap3A_157 = arith.constant 16 : index
        %swap3A_158 = tpu.vector_load %arg10[%swap3A_156, %swap3A_157] {strides = array<i32>} : memref<128x64xf32, #tpu.memory_space<vmem>>, vector<1x16xf32>,
        %swap3A_159 = vector.shape_cast %swap3A_158 : vector<1x16xf32> to vector<16xf32>
        %swap3A_160 = vector.shape_cast %get3A_155 : vector<16xf32> to vector<1x16xf32>
        tpu.vector_store %arg10[%swap3A_156, %swap3A_157], %swap3A_160 {add = true, strides = array<i32>} : memref<128x64xf32, #tpu.memory_space<vmem>>, vector<1x16xf32>,
        %add3A_161 = arith.constant 0 : i32
        %add3A_162 = arith.addi %mul3A_136, %add3A_161 : i32
        %add3A_163 = arith.constant 0 : i32
        %add3A_164 = arith.addi %mul3A_136, %add3A_163 : i32
        %get3A_165 = arith.index_cast %add3A_164 : i32 to index
        %get3A_166 = arith.constant 32 : index
        %get3A_167 = tpu.vector_load %arg7[%get3A_165, %get3A_166] {strides = array<i32>} : memref<128x128xf32, #tpu.memory_space<vmem>>, vector<1x16xf32>,
        %get3A_168 = vector.shape_cast %get3A_167 : vector<1x16xf32> to vector<16xf32>
        %swap3A_169 = arith.index_cast %add3A_162 : i32 to index
        %swap3A_170 = arith.constant 32 : index
        %swap3A_171 = tpu.vector_load %arg10[%swap3A_169, %swap3A_170] {strides = array<i32>} : memref<128x64xf32, #tpu.memory_space<vmem>>, vector<1x16xf32>,
        %swap3A_172 = vector.shape_cast %swap3A_171 : vector<1x16xf32> to vector<16xf32>
        %swap3A_173 = vector.shape_cast %get3A_168 : vector<16xf32> to vector<1x16xf32>
        tpu.vector_store %arg10[%swap3A_169, %swap3A_170], %swap3A_173 {add = true, strides = array<i32>} : memref<128x64xf32, #tpu.memory_space<vmem>>, vector<1x16xf32>,
        %add3A_174 = arith.constant 0 : i32
        %add3A_175 = arith.addi %mul3A_136, %add3A_174 : i32
        %add3A_176 = arith.constant 0 : i32
        %add3A_177 = arith.addi %mul3A_136, %add3A_176 : i32
        %get3A_178 = arith.index_cast %add3A_177 : i32 to index
        %get3A_179 = arith.constant 48 : index
        %get3A_180 = tpu.vector_load %arg7[%get3A_178, %get3A_179] {strides = array<i32>} : memref<128x128xf32, #tpu.memory_space<vmem>>, vector<1x16xf32>,
        %get3A_181 = vector.shape_cast %get3A_180 : vector<1x16xf32> to vector<16xf32>
        %swap3A_182 = arith.index_cast %add3A_175 : i32 to index
        %swap3A_183 = arith.constant 48 : index
        %swap3A_184 = tpu.vector_load %arg10[%swap3A_182, %swap3A_183] {strides = array<i32>} : memref<128x64xf32, #tpu.memory_space<vmem>>, vector<1x16xf32>,
        %swap3A_185 = vector.shape_cast %swap3A_184 : vector<1x16xf32> to vector<16xf32>
        %swap3A_186 = vector.shape_cast %get3A_181 : vector<16xf32> to vector<1x16xf32>
        tpu.vector_store %arg10[%swap3A_182, %swap3A_183], %swap3A_186 {add = true, strides = array<i32>} : memref<128x64xf32, #tpu.memory_space<vmem>>, vector<1x16xf32>,
        %add3A_187 = arith.constant 1 : i32
        %add3A_188 = arith.addi %mul3A_136, %add3A_187 : i32
        %add3A_189 = arith.constant 1 : i32
        %add3A_190 = arith.addi %mul3A_136, %add3A_189 : i32
        %get3A_191 = arith.index_cast %add3A_190 : i32 to index
        %get3A_192 = arith.constant 0 : index
        %get3A_193 = tpu.vector_load %arg7[%get3A_191, %get3A_192] {strides = array<i32>} : memref<128x128xf32, #tpu.memory_space<vmem>>, vector<1x16xf32>,
        %get3A_194 = vector.shape_cast %get3A_193 : vector<1x16xf32> to vector<16xf32>
        %swap3A_195 = arith.index_cast %add3A_188 : i32 to index
        %swap3A_196 = arith.constant 0 : index
        %swap3A_197 = tpu.vector_load %arg10[%swap3A_195, %swap3A_196] {strides = array<i32>} : memref<128x64xf32, #tpu.memory_space<vmem>>, vector<1x16xf32>,
        %swap3A_198 = vector.shape_cast %swap3A_197 : vector<1x16xf32> to vector<16xf32>
        %swap3A_199 = vector.shape_cast %get3A_194 : vector<16xf32> to vector<1x16xf32>
        tpu.vector_store %arg10[%swap3A_195, %swap3A_196], %swap3A_199 {add = true, strides = array<i32>} : memref<128x64xf32, #tpu.memory_space<vmem>>, vector<1x16xf32>,
        %add3A_200 = arith.constant 1 : i32
        %add3A_201 = arith.addi %mul3A_136, %add3A_200 : i32
        %add3A_202 = arith.constant 1 : i32
        %add3A_203 = arith.addi %mul3A_136, %add3A_202 : i32
        %get3A_204 = arith.index_cast %add3A_203 : i32 to index
        %get3A_205 = arith.constant 16 : index
        %get3A_206 = tpu.vector_load %arg7[%get3A_204, %get3A_205] {strides = array<i32>} : memref<128x128xf32, #tpu.memory_space<vmem>>, vector<1x16xf32>,
        %get3A_207 = vector.shape_cast %get3A_206 : vector<1x16xf32> to vector<16xf32>
        %swap3A_208 = arith.index_cast %add3A_201 : i32 to index
        %swap3A_209 = arith.constant 16 : index
        %swap3A_210 = tpu.vector_load %arg10[%swap3A_208, %swap3A_209] {strides = array<i32>} : memref<128x64xf32, #tpu.memory_space<vmem>>, vector<1x16xf32>,
        %swap3A_211 = vector.shape_cast %swap3A_210 : vector<1x16xf32> to vector<16xf32>
        %swap3A_212 = vector.shape_cast %get3A_207 : vector<16xf32> to vector<1x16xf32>
        tpu.vector_store %arg10[%swap3A_208, %swap3A_209], %swap3A_212 {add = true, strides = array<i32>} : memref<128x64xf32, #tpu.memory_space<vmem>>, vector<1x16xf32>,
        %add3A_213 = arith.constant 1 : i32
        %add3A_214 = arith.addi %mul3A_136, %add3A_213 : i32
        %add3A_215 = arith.constant 1 : i32
        %add3A_216 = arith.addi %mul3A_136, %add3A_215 : i32
        %get3A_217 = arith.index_cast %add3A_216 : i32 to index
        %get3A_218 = arith.constant 32 : index
        %get3A_219 = tpu.vector_load %arg7[%get3A_217, %get3A_218] {strides = array<i32>} : memref<128x128xf32, #tpu.memory_space<vmem>>, vector<1x16xf32>,
        %get3A_220 = vector.shape_cast %get3A_219 : vector<1x16xf32> to vector<16xf32>
        %swap3A_221 = arith.index_cast %add3A_214 : i32 to index
        %swap3A_222 = arith.constant 32 : index
        %swap3A_223 = tpu.vector_load %arg10[%swap3A_221, %swap3A_222] {strides = array<i32>} : memref<128x64xf32, #tpu.memory_space<vmem>>, vector<1x16xf32>,
        %swap3A_224 = vector.shape_cast %swap3A_223 : vector<1x16xf32> to vector<16xf32>
        %swap3A_225 = vector.shape_cast %get3A_220 : vector<16xf32> to vector<1x16xf32>
        tpu.vector_store %arg10[%swap3A_221, %swap3A_222], %swap3A_225 {add = true, strides = array<i32>} : memref<128x64xf32, #tpu.memory_space<vmem>>, vector<1x16xf32>,
        %add3A_226 = arith.constant 1 : i32
        %add3A_227 = arith.addi %mul3A_136, %add3A_226 : i32
        %add3A_228 = arith.constant 1 : i32
        %add3A_229 = arith.addi %mul3A_136, %add3A_228 : i32
        %get3A_230 = arith.index_cast %add3A_229 : i32 to index
        %get3A_231 = arith.constant 48 : index
        %get3A_232 = tpu.vector_load %arg7[%get3A_230, %get3A_231] {strides = array<i32>} : memref<128x128xf32, #tpu.memory_space<vmem>>, vector<1x16xf32>,
        %get3A_233 = vector.shape_cast %get3A_232 : vector<1x16xf32> to vector<16xf32>
        %swap3A_234 = arith.index_cast %add3A_227 : i32 to index
        %swap3A_235 = arith.constant 48 : index
        %swap3A_236 = tpu.vector_load %arg10[%swap3A_234, %swap3A_235] {strides = array<i32>} : memref<128x64xf32, #tpu.memory_space<vmem>>, vector<1x16xf32>,
        %swap3A_237 = vector.shape_cast %swap3A_236 : vector<1x16xf32> to vector<16xf32>
        %swap3A_238 = vector.shape_cast %get3A_233 : vector<16xf32> to vector<1x16xf32>
        tpu.vector_store %arg10[%swap3A_234, %swap3A_235], %swap3A_238 {add = true, strides = array<i32>} : memref<128x64xf32, #tpu.memory_space<vmem>>, vector<1x16xf32>,
        %add3A_239 = arith.constant 2 : i32
        %add3A_240 = arith.addi %mul3A_136, %add3A_239 : i32
        %add3A_241 = arith.constant 2 : i32
        %add3A_242 = arith.addi %mul3A_136, %add3A_241 : i32
        %get3A_243 = arith.index_cast %add3A_242 : i32 to index
        %get3A_244 = arith.constant 0 : index
        %get3A_245 = tpu.vector_load %arg7[%get3A_243, %get3A_244] {strides = array<i32>} : memref<128x128xf32, #tpu.memory_space<vmem>>, vector<1x16xf32>,
        %get3A_246 = vector.shape_cast %get3A_245 : vector<1x16xf32> to vector<16xf32>
        %swap3A_247 = arith.index_cast %add3A_240 : i32 to index
        %swap3A_248 = arith.constant 0 : index
        %swap3A_249 = tpu.vector_load %arg10[%swap3A_247, %swap3A_248] {strides = array<i32>} : memref<128x64xf32, #tpu.memory_space<vmem>>, vector<1x16xf32>,
        %swap3A_250 = vector.shape_cast %swap3A_249 : vector<1x16xf32> to vector<16xf32>
        %swap3A_251 = vector.shape_cast %get3A_246 : vector<16xf32> to vector<1x16xf32>
        tpu.vector_store %arg10[%swap3A_247, %swap3A_248], %swap3A_251 {add = true, strides = array<i32>} : memref<128x64xf32, #tpu.memory_space<vmem>>, vector<1x16xf32>,
        %add3A_252 = arith.constant 2 : i32
        %add3A_253 = arith.addi %mul3A_136, %add3A_252 : i32
        %add3A_254 = arith.constant 2 : i32
        %add3A_255 = arith.addi %mul3A_136, %add3A_254 : i32
        %get3A_256 = arith.index_cast %add3A_255 : i32 to index
        %get3A_257 = arith.constant 16 : index
        %get3A_258 = tpu.vector_load %arg7[%get3A_256, %get3A_257] {strides = array<i32>} : memref<128x128xf32, #tpu.memory_space<vmem>>, vector<1x16xf32>,
        %get3A_259 = vector.shape_cast %get3A_258 : vector<1x16xf32> to vector<16xf32>
        %swap3A_260 = arith.index_cast %add3A_253 : i32 to index
        %swap3A_261 = arith.constant 16 : index
        %swap3A_262 = tpu.vector_load %arg10[%swap3A_260, %swap3A_261] {strides = array<i32>} : memref<128x64xf32, #tpu.memory_space<vmem>>, vector<1x16xf32>,
        %swap3A_263 = vector.shape_cast %swap3A_262 : vector<1x16xf32> to vector<16xf32>
        %swap3A_264 = vector.shape_cast %get3A_259 : vector<16xf32> to vector<1x16xf32>
        tpu.vector_store %arg10[%swap3A_260, %swap3A_261], %swap3A_264 {add = true, strides = array<i32>} : memref<128x64xf32, #tpu.memory_space<vmem>>, vector<1x16xf32>,
        %add3A_265 = arith.constant 2 : i32
        %add3A_266 = arith.addi %mul3A_136, %add3A_265 : i32
        %add3A_267 = arith.constant 2 : i32
        %add3A_268 = arith.addi %mul3A_136, %add3A_267 : i32
        %get3A_269 = arith.index_cast %add3A_268 : i32 to index
        %get3A_270 = arith.constant 32 : index
        %get3A_271 = tpu.vector_load %arg7[%get3A_269, %get3A_270] {strides = array<i32>} : memref<128x128xf32, #tpu.memory_space<vmem>>, vector<1x16xf32>,
        %get3A_272 = vector.shape_cast %get3A_271 : vector<1x16xf32> to vector<16xf32>
        %swap3A_273 = arith.index_cast %add3A_266 : i32 to index
        %swap3A_274 = arith.constant 32 : index
        %swap3A_275 = tpu.vector_load %arg10[%swap3A_273, %swap3A_274] {strides = array<i32>} : memref<128x64xf32, #tpu.memory_space<vmem>>, vector<1x16xf32>,
        %swap3A_276 = vector.shape_cast %swap3A_275 : vector<1x16xf32> to vector<16xf32>
        %swap3A_277 = vector.shape_cast %get3A_272 : vector<16xf32> to vector<1x16xf32>
        tpu.vector_store %arg10[%swap3A_273, %swap3A_274], %swap3A_277 {add = true, strides = array<i32>} : memref<128x64xf32, #tpu.memory_space<vmem>>, vector<1x16xf32>,
        %add3A_278 = arith.constant 2 : i32
        %add3A_279 = arith.addi %mul3A_136, %add3A_278 : i32
        %add3A_280 = arith.constant 2 : i32
        %add3A_281 = arith.addi %mul3A_136, %add3A_280 : i32
        %get3A_282 = arith.index_cast %add3A_281 : i32 to index
        %get3A_283 = arith.constant 48 : index
        %get3A_284 = tpu.vector_load %arg7[%get3A_282, %get3A_283] {strides = array<i32>} : memref<128x128xf32, #tpu.memory_space<vmem>>, vector<1x16xf32>,
        %get3A_285 = vector.shape_cast %get3A_284 : vector<1x16xf32> to vector<16xf32>
        %swap3A_286 = arith.index_cast %add3A_279 : i32 to index
        %swap3A_287 = arith.constant 48 : index
        %swap3A_288 = tpu.vector_load %arg10[%swap3A_286, %swap3A_287] {strides = array<i32>} : memref<128x64xf32, #tpu.memory_space<vmem>>, vector<1x16xf32>,
        %swap3A_289 = vector.shape_cast %swap3A_288 : vector<1x16xf32> to vector<16xf32>
        %swap3A_290 = vector.shape_cast %get3A_285 : vector<16xf32> to vector<1x16xf32>
        tpu.vector_store %arg10[%swap3A_286, %swap3A_287], %swap3A_290 {add = true, strides = array<i32>} : memref<128x64xf32, #tpu.memory_space<vmem>>, vector<1x16xf32>,
        %add3A_291 = arith.constant 3 : i32
        %add3A_292 = arith.addi %mul3A_136, %add3A_291 : i32
        %add3A_293 = arith.constant 3 : i32
        %add3A_294 = arith.addi %mul3A_136, %add3A_293 : i32
        %get3A_295 = arith.index_cast %add3A_294 : i32 to index
        %get3A_296 = arith.constant 0 : index
        %get3A_297 = tpu.vector_load %arg7[%get3A_295, %get3A_296] {strides = array<i32>} : memref<128x128xf32, #tpu.memory_space<vmem>>, vector<1x16xf32>,
        %get3A_298 = vector.shape_cast %get3A_297 : vector<1x16xf32> to vector<16xf32>
        %swap3A_299 = arith.index_cast %add3A_292 : i32 to index
        %swap3A_300 = arith.constant 0 : index
        %swap3A_301 = tpu.vector_load %arg10[%swap3A_299, %swap3A_300] {strides = array<i32>} : memref<128x64xf32, #tpu.memory_space<vmem>>, vector<1x16xf32>,
        %swap3A_302 = vector.shape_cast %swap3A_301 : vector<1x16xf32> to vector<16xf32>
        %swap3A_303 = vector.shape_cast %get3A_298 : vector<16xf32> to vector<1x16xf32>
        tpu.vector_store %arg10[%swap3A_299, %swap3A_300], %swap3A_303 {add = true, strides = array<i32>} : memref<128x64xf32, #tpu.memory_space<vmem>>, vector<1x16xf32>,
        %add3A_304 = arith.constant 3 : i32
        %add3A_305 = arith.addi %mul3A_136, %add3A_304 : i32
        %add3A_306 = arith.constant 3 : i32
        %add3A_307 = arith.addi %mul3A_136, %add3A_306 : i32
        %get3A_308 = arith.index_cast %add3A_307 : i32 to index
        %get3A_309 = arith.constant 16 : index
        %get3A_310 = tpu.vector_load %arg7[%get3A_308, %get3A_309] {strides = array<i32>} : memref<128x128xf32, #tpu.memory_space<vmem>>, vector<1x16xf32>,
        %get3A_311 = vector.shape_cast %get3A_310 : vector<1x16xf32> to vector<16xf32>
        %swap3A_312 = arith.index_cast %add3A_305 : i32 to index
        %swap3A_313 = arith.constant 16 : index
        %swap3A_314 = tpu.vector_load %arg10[%swap3A_312, %swap3A_313] {strides = array<i32>} : memref<128x64xf32, #tpu.memory_space<vmem>>, vector<1x16xf32>,
        %swap3A_315 = vector.shape_cast %swap3A_314 : vector<1x16xf32> to vector<16xf32>
        %swap3A_316 = vector.shape_cast %get3A_311 : vector<16xf32> to vector<1x16xf32>
        tpu.vector_store %arg10[%swap3A_312, %swap3A_313], %swap3A_316 {add = true, strides = array<i32>} : memref<128x64xf32, #tpu.memory_space<vmem>>, vector<1x16xf32>,
        %add3A_317 = arith.constant 3 : i32
        %add3A_318 = arith.addi %mul3A_136, %add3A_317 : i32
        %add3A_319 = arith.constant 3 : i32
        %add3A_320 = arith.addi %mul3A_136, %add3A_319 : i32
        %get3A_321 = arith.index_cast %add3A_320 : i32 to index
        %get3A_322 = arith.constant 32 : index
        %get3A_323 = tpu.vector_load %arg7[%get3A_321, %get3A_322] {strides = array<i32>} : memref<128x128xf32, #tpu.memory_space<vmem>>, vector<1x16xf32>,
        %get3A_324 = vector.shape_cast %get3A_323 : vector<1x16xf32> to vector<16xf32>
        %swap3A_325 = arith.index_cast %add3A_318 : i32 to index
        %swap3A_326 = arith.constant 32 : index
        %swap3A_327 = tpu.vector_load %arg10[%swap3A_325, %swap3A_326] {strides = array<i32>} : memref<128x64xf32, #tpu.memory_space<vmem>>, vector<1x16xf32>,
        %swap3A_328 = vector.shape_cast %swap3A_327 : vector<1x16xf32> to vector<16xf32>
        %swap3A_329 = vector.shape_cast %get3A_324 : vector<16xf32> to vector<1x16xf32>
        tpu.vector_store %arg10[%swap3A_325, %swap3A_326], %swap3A_329 {add = true, strides = array<i32>} : memref<128x64xf32, #tpu.memory_space<vmem>>, vector<1x16xf32>,
        %add3A_330 = arith.constant 3 : i32
        %add3A_331 = arith.addi %mul3A_136, %add3A_330 : i32
        %add3A_332 = arith.constant 3 : i32
        %add3A_333 = arith.addi %mul3A_136, %add3A_332 : i32
        %get3A_334 = arith.index_cast %add3A_333 : i32 to index
        %get3A_335 = arith.constant 48 : index
        %get3A_336 = tpu.vector_load %arg7[%get3A_334, %get3A_335] {strides = array<i32>} : memref<128x128xf32, #tpu.memory_space<vmem>>, vector<1x16xf32>,
        %get3A_337 = vector.shape_cast %get3A_336 : vector<1x16xf32> to vector<16xf32>
        %swap3A_338 = arith.index_cast %add3A_331 : i32 to index
        %swap3A_339 = arith.constant 48 : index
        %swap3A_340 = tpu.vector_load %arg10[%swap3A_338, %swap3A_339] {strides = array<i32>} : memref<128x64xf32, #tpu.memory_space<vmem>>, vector<1x16xf32>,
        %swap3A_341 = vector.shape_cast %swap3A_340 : vector<1x16xf32> to vector<16xf32>
        %swap3A_342 = vector.shape_cast %get3A_337 : vector<16xf32> to vector<1x16xf32>
        tpu.vector_store %arg10[%swap3A_338, %swap3A_339], %swap3A_342 {add = true, strides = array<i32>} : memref<128x64xf32, #tpu.memory_space<vmem>>, vector<1x16xf32>,
        %scan3A_343 = arith.constant 0 : i32
        scf.yield %scan3A_343 : i32
      }
      %scan3A_78 = arith.constant 32 : i32
      %add3A_79 = arith.constant 1 : i32
      %add3A_80 = arith.addi %mul3A_47, %add3A_79 : i32
      %add3A_81 = arith.constant 4 : i32
      %add3A_82 = arith.addi %add3A_80, %add3A_81 : i32
      %lt3A_83 = arith.constant 200 : i32
      %lt3A_84 = arith.cmpi slt, %add3A_82, %lt3A_83 : i32
      %convert_element_type3A_85 = arith.extui %lt3A_84 : i1 to i32
      %cond3A_86 = arith.constant 0 : i32
      %cond3A_87 = arith.cmpi ne, %convert_element_type3A_85, %cond3A_86 : i32
      scf.if %cond3A_87 {
        %add3A_133 = arith.constant 1 : i32
        %add3A_134 = arith.addi %mul3A_47, %add3A_133 : i32
        %add3A_135 = arith.constant 4 : i32
        %add3A_136 = arith.addi %add3A_134, %add3A_135 : i32
        %dma_start3A_137 = arith.constant 0 : i32
        %dma_start3A_138 = tpu.memref_slice %arg5[%add3A_136, %dma_start3A_137] : memref<200x128xi32, #tpu.memory_space<vmem>> -> memref<1x128xi32, #tpu.memory_space<vmem>>
        %dma_start3A_139 = tpu.memref_squeeze %dma_start3A_138 : memref<1x128xi32, #tpu.memory_space<vmem>> -> memref<128xi32, #tpu.memory_space<vmem>>
        %dma_start3A_140 = arith.constant 0 : i32
        %dma_start3A_141 = arith.constant 0 : i32
        %dma_start3A_142 = tpu.memref_slice %arg3[%dma_start3A_140, %dma_start3A_141] : memref<1000064x128xf32, #tpu.memory_space<hbm>> -> memref<1000064x128xf32, #tpu.memory_space<hbm>>
        tpu.enqueue_indirect_dma source(%dma_start3A_142 : memref<1000064x128xf32, #tpu.memory_space<hbm>>) target(%arg7 : memref<128x128xf32, #tpu.memory_space<vmem>>) offsets(%dma_start3A_139 : memref<128xi32, #tpu.memory_space<vmem>>) semaphore(%arg12 : memref<!tpu.dma_semaphore, #tpu.memory_space<semaphore_mem>>)
      } else {
      }
      %dma_wait3A_88 = arith.constant 0 : i32
      %dma_wait3A_89 = arith.constant 0 : i32
      %dma_wait3A_90 = tpu.memref_slice %arg3[%dma_wait3A_88, %dma_wait3A_89] : memref<1000064x128xf32, #tpu.memory_space<hbm>> -> memref<128x128xf32, #tpu.memory_space<hbm>>
      %dma_wait3A_91 = arith.constant 0 : i32
      %dma_wait3A_92 = arith.constant 0 : i32
      %dma_wait3A_93 = tpu.memref_slice %arg3[%dma_wait3A_91, %dma_wait3A_92] : memref<1000064x128xf32, #tpu.memory_space<hbm>> -> memref<128x128xf32, #tpu.memory_space<hbm>>
      tpu.wait_dma2 semaphore(%arg13 : memref<!tpu.dma_semaphore, #tpu.memory_space<semaphore_mem>>) src(%dma_wait3A_93 : memref<128x128xf32, #tpu.memory_space<hbm>>) dst(%arg8 : memref<128x128xf32, #tpu.memory_space<vmem>>)
      %scan3A_94 = arith.constant 0 : i32
      %scan3A_95 = arith.constant 0 : i32
      %scan3A_96 = arith.constant 32 : i32
      %scan3A_97 = arith.addi %scan3A_95, %scan3A_96 : i32
      %scan3A_98 = arith.constant 1 : i32
      %scan3A_99 = scf.for %scan3A_133 = %scan3A_95 to %scan3A_97 step %scan3A_98 iter_args(%scan3A_134 = %scan3A_94) -> (i32)  : i32 {
        %mul3A_135 = arith.constant 4 : i32
        %mul3A_136 = arith.muli %scan3A_133, %mul3A_135 : i32
        %add3A_137 = arith.constant 0 : i32
        %add3A_138 = arith.addi %mul3A_136, %add3A_137 : i32
        %add3A_139 = arith.constant 0 : i32
        %add3A_140 = arith.addi %mul3A_136, %add3A_139 : i32
        %get3A = arith.index_cast %add3A_140 : i32 to index
        %get3A_141 = arith.constant 0 : index
        %get3A_142 = tpu.vector_load %arg8[%get3A, %get3A_141] {strides = array<i32>} : memref<128x128xf32, #tpu.memory_space<vmem>>, vector<1x16xf32>,
        %get3A_143 = vector.shape_cast %get3A_142 : vector<1x16xf32> to vector<16xf32>
        %swap3A = arith.index_cast %add3A_138 : i32 to index
        %swap3A_144 = arith.constant 0 : index
        %swap3A_145 = tpu.vector_load %arg10[%swap3A, %swap3A_144] {strides = array<i32>} : memref<128x64xf32, #tpu.memory_space<vmem>>, vector<1x16xf32>,
        %swap3A_146 = vector.shape_cast %swap3A_145 : vector<1x16xf32> to vector<16xf32>
        %swap3A_147 = vector.shape_cast %get3A_143 : vector<16xf32> to vector<1x16xf32>
        tpu.vector_store %arg10[%swap3A, %swap3A_144], %swap3A_147 {add = true, strides = array<i32>} : memref<128x64xf32, #tpu.memory_space<vmem>>, vector<1x16xf32>,
        %add3A_148 = arith.constant 0 : i32
        %add3A_149 = arith.addi %mul3A_136, %add3A_148 : i32
        %add3A_150 = arith.constant 0 : i32
        %add3A_151 = arith.addi %mul3A_136, %add3A_150 : i32
        %get3A_152 = arith.index_cast %add3A_151 : i32 to index
        %get3A_153 = arith.constant 16 : index
        %get3A_154 = tpu.vector_load %arg8[%get3A_152, %get3A_153] {strides = array<i32>} : memref<128x128xf32, #tpu.memory_space<vmem>>, vector<1x16xf32>,
        %get3A_155 = vector.shape_cast %get3A_154 : vector<1x16xf32> to vector<16xf32>
        %swap3A_156 = arith.index_cast %add3A_149 : i32 to index
        %swap3A_157 = arith.constant 16 : index
        %swap3A_158 = tpu.vector_load %arg10[%swap3A_156, %swap3A_157] {strides = array<i32>} : memref<128x64xf32, #tpu.memory_space<vmem>>, vector<1x16xf32>,
        %swap3A_159 = vector.shape_cast %swap3A_158 : vector<1x16xf32> to vector<16xf32>
        %swap3A_160 = vector.shape_cast %get3A_155 : vector<16xf32> to vector<1x16xf32>
        tpu.vector_store %arg10[%swap3A_156, %swap3A_157], %swap3A_160 {add = true, strides = array<i32>} : memref<128x64xf32, #tpu.memory_space<vmem>>, vector<1x16xf32>,
        %add3A_161 = arith.constant 0 : i32
        %add3A_162 = arith.addi %mul3A_136, %add3A_161 : i32
        %add3A_163 = arith.constant 0 : i32
        %add3A_164 = arith.addi %mul3A_136, %add3A_163 : i32
        %get3A_165 = arith.index_cast %add3A_164 : i32 to index
        %get3A_166 = arith.constant 32 : index
        %get3A_167 = tpu.vector_load %arg8[%get3A_165, %get3A_166] {strides = array<i32>} : memref<128x128xf32, #tpu.memory_space<vmem>>, vector<1x16xf32>,
        %get3A_168 = vector.shape_cast %get3A_167 : vector<1x16xf32> to vector<16xf32>
        %swap3A_169 = arith.index_cast %add3A_162 : i32 to index
        %swap3A_170 = arith.constant 32 : index
        %swap3A_171 = tpu.vector_load %arg10[%swap3A_169, %swap3A_170] {strides = array<i32>} : memref<128x64xf32, #tpu.memory_space<vmem>>, vector<1x16xf32>,
        %swap3A_172 = vector.shape_cast %swap3A_171 : vector<1x16xf32> to vector<16xf32>
        %swap3A_173 = vector.shape_cast %get3A_168 : vector<16xf32> to vector<1x16xf32>
        tpu.vector_store %arg10[%swap3A_169, %swap3A_170], %swap3A_173 {add = true, strides = array<i32>} : memref<128x64xf32, #tpu.memory_space<vmem>>, vector<1x16xf32>,
        %add3A_174 = arith.constant 0 : i32
        %add3A_175 = arith.addi %mul3A_136, %add3A_174 : i32
        %add3A_176 = arith.constant 0 : i32
        %add3A_177 = arith.addi %mul3A_136, %add3A_176 : i32
        %get3A_178 = arith.index_cast %add3A_177 : i32 to index
        %get3A_179 = arith.constant 48 : index
        %get3A_180 = tpu.vector_load %arg8[%get3A_178, %get3A_179] {strides = array<i32>} : memref<128x128xf32, #tpu.memory_space<vmem>>, vector<1x16xf32>,
        %get3A_181 = vector.shape_cast %get3A_180 : vector<1x16xf32> to vector<16xf32>
        %swap3A_182 = arith.index_cast %add3A_175 : i32 to index
        %swap3A_183 = arith.constant 48 : index
        %swap3A_184 = tpu.vector_load %arg10[%swap3A_182, %swap3A_183] {strides = array<i32>} : memref<128x64xf32, #tpu.memory_space<vmem>>, vector<1x16xf32>,
        %swap3A_185 = vector.shape_cast %swap3A_184 : vector<1x16xf32> to vector<16xf32>
        %swap3A_186 = vector.shape_cast %get3A_181 : vector<16xf32> to vector<1x16xf32>
        tpu.vector_store %arg10[%swap3A_182, %swap3A_183], %swap3A_186 {add = true, strides = array<i32>} : memref<128x64xf32, #tpu.memory_space<vmem>>, vector<1x16xf32>,
        %add3A_187 = arith.constant 1 : i32
        %add3A_188 = arith.addi %mul3A_136, %add3A_187 : i32
        %add3A_189 = arith.constant 1 : i32
        %add3A_190 = arith.addi %mul3A_136, %add3A_189 : i32
        %get3A_191 = arith.index_cast %add3A_190 : i32 to index
        %get3A_192 = arith.constant 0 : index
        %get3A_193 = tpu.vector_load %arg8[%get3A_191, %get3A_192] {strides = array<i32>} : memref<128x128xf32, #tpu.memory_space<vmem>>, vector<1x16xf32>,
        %get3A_194 = vector.shape_cast %get3A_193 : vector<1x16xf32> to vector<16xf32>
        %swap3A_195 = arith.index_cast %add3A_188 : i32 to index
        %swap3A_196 = arith.constant 0 : index
        %swap3A_197 = tpu.vector_load %arg10[%swap3A_195, %swap3A_196] {strides = array<i32>} : memref<128x64xf32, #tpu.memory_space<vmem>>, vector<1x16xf32>,
        %swap3A_198 = vector.shape_cast %swap3A_197 : vector<1x16xf32> to vector<16xf32>
        %swap3A_199 = vector.shape_cast %get3A_194 : vector<16xf32> to vector<1x16xf32>
        tpu.vector_store %arg10[%swap3A_195, %swap3A_196], %swap3A_199 {add = true, strides = array<i32>} : memref<128x64xf32, #tpu.memory_space<vmem>>, vector<1x16xf32>,
        %add3A_200 = arith.constant 1 : i32
        %add3A_201 = arith.addi %mul3A_136, %add3A_200 : i32
        %add3A_202 = arith.constant 1 : i32
        %add3A_203 = arith.addi %mul3A_136, %add3A_202 : i32
        %get3A_204 = arith.index_cast %add3A_203 : i32 to index
        %get3A_205 = arith.constant 16 : index
        %get3A_206 = tpu.vector_load %arg8[%get3A_204, %get3A_205] {strides = array<i32>} : memref<128x128xf32, #tpu.memory_space<vmem>>, vector<1x16xf32>,
        %get3A_207 = vector.shape_cast %get3A_206 : vector<1x16xf32> to vector<16xf32>
        %swap3A_208 = arith.index_cast %add3A_201 : i32 to index
        %swap3A_209 = arith.constant 16 : index
        %swap3A_210 = tpu.vector_load %arg10[%swap3A_208, %swap3A_209] {strides = array<i32>} : memref<128x64xf32, #tpu.memory_space<vmem>>, vector<1x16xf32>,
        %swap3A_211 = vector.shape_cast %swap3A_210 : vector<1x16xf32> to vector<16xf32>
        %swap3A_212 = vector.shape_cast %get3A_207 : vector<16xf32> to vector<1x16xf32>
        tpu.vector_store %arg10[%swap3A_208, %swap3A_209], %swap3A_212 {add = true, strides = array<i32>} : memref<128x64xf32, #tpu.memory_space<vmem>>, vector<1x16xf32>,
        %add3A_213 = arith.constant 1 : i32
        %add3A_214 = arith.addi %mul3A_136, %add3A_213 : i32
        %add3A_215 = arith.constant 1 : i32
        %add3A_216 = arith.addi %mul3A_136, %add3A_215 : i32
        %get3A_217 = arith.index_cast %add3A_216 : i32 to index
        %get3A_218 = arith.constant 32 : index
        %get3A_219 = tpu.vector_load %arg8[%get3A_217, %get3A_218] {strides = array<i32>} : memref<128x128xf32, #tpu.memory_space<vmem>>, vector<1x16xf32>,
        %get3A_220 = vector.shape_cast %get3A_219 : vector<1x16xf32> to vector<16xf32>
        %swap3A_221 = arith.index_cast %add3A_214 : i32 to index
        %swap3A_222 = arith.constant 32 : index
        %swap3A_223 = tpu.vector_load %arg10[%swap3A_221, %swap3A_222] {strides = array<i32>} : memref<128x64xf32, #tpu.memory_space<vmem>>, vector<1x16xf32>,
        %swap3A_224 = vector.shape_cast %swap3A_223 : vector<1x16xf32> to vector<16xf32>
        %swap3A_225 = vector.shape_cast %get3A_220 : vector<16xf32> to vector<1x16xf32>
        tpu.vector_store %arg10[%swap3A_221, %swap3A_222], %swap3A_225 {add = true, strides = array<i32>} : memref<128x64xf32, #tpu.memory_space<vmem>>, vector<1x16xf32>,
        %add3A_226 = arith.constant 1 : i32
        %add3A_227 = arith.addi %mul3A_136, %add3A_226 : i32
        %add3A_228 = arith.constant 1 : i32
        %add3A_229 = arith.addi %mul3A_136, %add3A_228 : i32
        %get3A_230 = arith.index_cast %add3A_229 : i32 to index
        %get3A_231 = arith.constant 48 : index
        %get3A_232 = tpu.vector_load %arg8[%get3A_230, %get3A_231] {strides = array<i32>} : memref<128x128xf32, #tpu.memory_space<vmem>>, vector<1x16xf32>,
        %get3A_233 = vector.shape_cast %get3A_232 : vector<1x16xf32> to vector<16xf32>
        %swap3A_234 = arith.index_cast %add3A_227 : i32 to index
        %swap3A_235 = arith.constant 48 : index
        %swap3A_236 = tpu.vector_load %arg10[%swap3A_234, %swap3A_235] {strides = array<i32>} : memref<128x64xf32, #tpu.memory_space<vmem>>, vector<1x16xf32>,
        %swap3A_237 = vector.shape_cast %swap3A_236 : vector<1x16xf32> to vector<16xf32>
        %swap3A_238 = vector.shape_cast %get3A_233 : vector<16xf32> to vector<1x16xf32>
        tpu.vector_store %arg10[%swap3A_234, %swap3A_235], %swap3A_238 {add = true, strides = array<i32>} : memref<128x64xf32, #tpu.memory_space<vmem>>, vector<1x16xf32>,
        %add3A_239 = arith.constant 2 : i32
        %add3A_240 = arith.addi %mul3A_136, %add3A_239 : i32
        %add3A_241 = arith.constant 2 : i32
        %add3A_242 = arith.addi %mul3A_136, %add3A_241 : i32
        %get3A_243 = arith.index_cast %add3A_242 : i32 to index
        %get3A_244 = arith.constant 0 : index
        %get3A_245 = tpu.vector_load %arg8[%get3A_243, %get3A_244] {strides = array<i32>} : memref<128x128xf32, #tpu.memory_space<vmem>>, vector<1x16xf32>,
        %get3A_246 = vector.shape_cast %get3A_245 : vector<1x16xf32> to vector<16xf32>
        %swap3A_247 = arith.index_cast %add3A_240 : i32 to index
        %swap3A_248 = arith.constant 0 : index
        %swap3A_249 = tpu.vector_load %arg10[%swap3A_247, %swap3A_248] {strides = array<i32>} : memref<128x64xf32, #tpu.memory_space<vmem>>, vector<1x16xf32>,
        %swap3A_250 = vector.shape_cast %swap3A_249 : vector<1x16xf32> to vector<16xf32>
        %swap3A_251 = vector.shape_cast %get3A_246 : vector<16xf32> to vector<1x16xf32>
        tpu.vector_store %arg10[%swap3A_247, %swap3A_248], %swap3A_251 {add = true, strides = array<i32>} : memref<128x64xf32, #tpu.memory_space<vmem>>, vector<1x16xf32>,
        %add3A_252 = arith.constant 2 : i32
        %add3A_253 = arith.addi %mul3A_136, %add3A_252 : i32
        %add3A_254 = arith.constant 2 : i32
        %add3A_255 = arith.addi %mul3A_136, %add3A_254 : i32
        %get3A_256 = arith.index_cast %add3A_255 : i32 to index
        %get3A_257 = arith.constant 16 : index
        %get3A_258 = tpu.vector_load %arg8[%get3A_256, %get3A_257] {strides = array<i32>} : memref<128x128xf32, #tpu.memory_space<vmem>>, vector<1x16xf32>,
        %get3A_259 = vector.shape_cast %get3A_258 : vector<1x16xf32> to vector<16xf32>
        %swap3A_260 = arith.index_cast %add3A_253 : i32 to index
        %swap3A_261 = arith.constant 16 : index
        %swap3A_262 = tpu.vector_load %arg10[%swap3A_260, %swap3A_261] {strides = array<i32>} : memref<128x64xf32, #tpu.memory_space<vmem>>, vector<1x16xf32>,
        %swap3A_263 = vector.shape_cast %swap3A_262 : vector<1x16xf32> to vector<16xf32>
        %swap3A_264 = vector.shape_cast %get3A_259 : vector<16xf32> to vector<1x16xf32>
        tpu.vector_store %arg10[%swap3A_260, %swap3A_261], %swap3A_264 {add = true, strides = array<i32>} : memref<128x64xf32, #tpu.memory_space<vmem>>, vector<1x16xf32>,
        %add3A_265 = arith.constant 2 : i32
        %add3A_266 = arith.addi %mul3A_136, %add3A_265 : i32
        %add3A_267 = arith.constant 2 : i32
        %add3A_268 = arith.addi %mul3A_136, %add3A_267 : i32
        %get3A_269 = arith.index_cast %add3A_268 : i32 to index
        %get3A_270 = arith.constant 32 : index
        %get3A_271 = tpu.vector_load %arg8[%get3A_269, %get3A_270] {strides = array<i32>} : memref<128x128xf32, #tpu.memory_space<vmem>>, vector<1x16xf32>,
        %get3A_272 = vector.shape_cast %get3A_271 : vector<1x16xf32> to vector<16xf32>
        %swap3A_273 = arith.index_cast %add3A_266 : i32 to index
        %swap3A_274 = arith.constant 32 : index
        %swap3A_275 = tpu.vector_load %arg10[%swap3A_273, %swap3A_274] {strides = array<i32>} : memref<128x64xf32, #tpu.memory_space<vmem>>, vector<1x16xf32>,
        %swap3A_276 = vector.shape_cast %swap3A_275 : vector<1x16xf32> to vector<16xf32>
        %swap3A_277 = vector.shape_cast %get3A_272 : vector<16xf32> to vector<1x16xf32>
        tpu.vector_store %arg10[%swap3A_273, %swap3A_274], %swap3A_277 {add = true, strides = array<i32>} : memref<128x64xf32, #tpu.memory_space<vmem>>, vector<1x16xf32>,
        %add3A_278 = arith.constant 2 : i32
        %add3A_279 = arith.addi %mul3A_136, %add3A_278 : i32
        %add3A_280 = arith.constant 2 : i32
        %add3A_281 = arith.addi %mul3A_136, %add3A_280 : i32
        %get3A_282 = arith.index_cast %add3A_281 : i32 to index
        %get3A_283 = arith.constant 48 : index
        %get3A_284 = tpu.vector_load %arg8[%get3A_282, %get3A_283] {strides = array<i32>} : memref<128x128xf32, #tpu.memory_space<vmem>>, vector<1x16xf32>,
        %get3A_285 = vector.shape_cast %get3A_284 : vector<1x16xf32> to vector<16xf32>
        %swap3A_286 = arith.index_cast %add3A_279 : i32 to index
        %swap3A_287 = arith.constant 48 : index
        %swap3A_288 = tpu.vector_load %arg10[%swap3A_286, %swap3A_287] {strides = array<i32>} : memref<128x64xf32, #tpu.memory_space<vmem>>, vector<1x16xf32>,
        %swap3A_289 = vector.shape_cast %swap3A_288 : vector<1x16xf32> to vector<16xf32>
        %swap3A_290 = vector.shape_cast %get3A_285 : vector<16xf32> to vector<1x16xf32>
        tpu.vector_store %arg10[%swap3A_286, %swap3A_287], %swap3A_290 {add = true, strides = array<i32>} : memref<128x64xf32, #tpu.memory_space<vmem>>, vector<1x16xf32>,
        %add3A_291 = arith.constant 3 : i32
        %add3A_292 = arith.addi %mul3A_136, %add3A_291 : i32
        %add3A_293 = arith.constant 3 : i32
        %add3A_294 = arith.addi %mul3A_136, %add3A_293 : i32
        %get3A_295 = arith.index_cast %add3A_294 : i32 to index
        %get3A_296 = arith.constant 0 : index
        %get3A_297 = tpu.vector_load %arg8[%get3A_295, %get3A_296] {strides = array<i32>} : memref<128x128xf32, #tpu.memory_space<vmem>>, vector<1x16xf32>,
        %get3A_298 = vector.shape_cast %get3A_297 : vector<1x16xf32> to vector<16xf32>
        %swap3A_299 = arith.index_cast %add3A_292 : i32 to index
        %swap3A_300 = arith.constant 0 : index
        %swap3A_301 = tpu.vector_load %arg10[%swap3A_299, %swap3A_300] {strides = array<i32>} : memref<128x64xf32, #tpu.memory_space<vmem>>, vector<1x16xf32>,
        %swap3A_302 = vector.shape_cast %swap3A_301 : vector<1x16xf32> to vector<16xf32>
        %swap3A_303 = vector.shape_cast %get3A_298 : vector<16xf32> to vector<1x16xf32>
        tpu.vector_store %arg10[%swap3A_299, %swap3A_300], %swap3A_303 {add = true, strides = array<i32>} : memref<128x64xf32, #tpu.memory_space<vmem>>, vector<1x16xf32>,
        %add3A_304 = arith.constant 3 : i32
        %add3A_305 = arith.addi %mul3A_136, %add3A_304 : i32
        %add3A_306 = arith.constant 3 : i32
        %add3A_307 = arith.addi %mul3A_136, %add3A_306 : i32
        %get3A_308 = arith.index_cast %add3A_307 : i32 to index
        %get3A_309 = arith.constant 16 : index
        %get3A_310 = tpu.vector_load %arg8[%get3A_308, %get3A_309] {strides = array<i32>} : memref<128x128xf32, #tpu.memory_space<vmem>>, vector<1x16xf32>,
        %get3A_311 = vector.shape_cast %get3A_310 : vector<1x16xf32> to vector<16xf32>
        %swap3A_312 = arith.index_cast %add3A_305 : i32 to index
        %swap3A_313 = arith.constant 16 : index
        %swap3A_314 = tpu.vector_load %arg10[%swap3A_312, %swap3A_313] {strides = array<i32>} : memref<128x64xf32, #tpu.memory_space<vmem>>, vector<1x16xf32>,
        %swap3A_315 = vector.shape_cast %swap3A_314 : vector<1x16xf32> to vector<16xf32>
        %swap3A_316 = vector.shape_cast %get3A_311 : vector<16xf32> to vector<1x16xf32>
        tpu.vector_store %arg10[%swap3A_312, %swap3A_313], %swap3A_316 {add = true, strides = array<i32>} : memref<128x64xf32, #tpu.memory_space<vmem>>, vector<1x16xf32>,
        %add3A_317 = arith.constant 3 : i32
        %add3A_318 = arith.addi %mul3A_136, %add3A_317 : i32
        %add3A_319 = arith.constant 3 : i32
        %add3A_320 = arith.addi %mul3A_136, %add3A_319 : i32
        %get3A_321 = arith.index_cast %add3A_320 : i32 to index
        %get3A_322 = arith.constant 32 : index
        %get3A_323 = tpu.vector_load %arg8[%get3A_321, %get3A_322] {strides = array<i32>} : memref<128x128xf32, #tpu.memory_space<vmem>>, vector<1x16xf32>,
        %get3A_324 = vector.shape_cast %get3A_323 : vector<1x16xf32> to vector<16xf32>
        %swap3A_325 = arith.index_cast %add3A_318 : i32 to index
        %swap3A_326 = arith.constant 32 : index
        %swap3A_327 = tpu.vector_load %arg10[%swap3A_325, %swap3A_326] {strides = array<i32>} : memref<128x64xf32, #tpu.memory_space<vmem>>, vector<1x16xf32>,
        %swap3A_328 = vector.shape_cast %swap3A_327 : vector<1x16xf32> to vector<16xf32>
        %swap3A_329 = vector.shape_cast %get3A_324 : vector<16xf32> to vector<1x16xf32>
        tpu.vector_store %arg10[%swap3A_325, %swap3A_326], %swap3A_329 {add = true, strides = array<i32>} : memref<128x64xf32, #tpu.memory_space<vmem>>, vector<1x16xf32>,
        %add3A_330 = arith.constant 3 : i32
        %add3A_331 = arith.addi %mul3A_136, %add3A_330 : i32
        %add3A_332 = arith.constant 3 : i32
        %add3A_333 = arith.addi %mul3A_136, %add3A_332 : i32
        %get3A_334 = arith.index_cast %add3A_333 : i32 to index
        %get3A_335 = arith.constant 48 : index
        %get3A_336 = tpu.vector_load %arg8[%get3A_334, %get3A_335] {strides = array<i32>} : memref<128x128xf32, #tpu.memory_space<vmem>>, vector<1x16xf32>,
        %get3A_337 = vector.shape_cast %get3A_336 : vector<1x16xf32> to vector<16xf32>
        %swap3A_338 = arith.index_cast %add3A_331 : i32 to index
        %swap3A_339 = arith.constant 48 : index
        %swap3A_340 = tpu.vector_load %arg10[%swap3A_338, %swap3A_339] {strides = array<i32>} : memref<128x64xf32, #tpu.memory_space<vmem>>, vector<1x16xf32>,
        %swap3A_341 = vector.shape_cast %swap3A_340 : vector<1x16xf32> to vector<16xf32>
        %swap3A_342 = vector.shape_cast %get3A_337 : vector<16xf32> to vector<1x16xf32>
        tpu.vector_store %arg10[%swap3A_338, %swap3A_339], %swap3A_342 {add = true, strides = array<i32>} : memref<128x64xf32, #tpu.memory_space<vmem>>, vector<1x16xf32>,
        %scan3A_343 = arith.constant 0 : i32
        scf.yield %scan3A_343 : i32
      }
      %scan3A_100 = arith.constant 32 : i32
      %add3A_101 = arith.constant 2 : i32
      %add3A_102 = arith.addi %mul3A_47, %add3A_101 : i32
      %add3A_103 = arith.constant 4 : i32
      %add3A_104 = arith.addi %add3A_102, %add3A_103 : i32
      %lt3A_105 = arith.constant 200 : i32
      %lt3A_106 = arith.cmpi slt, %add3A_104, %lt3A_105 : i32
      %convert_element_type3A_107 = arith.extui %lt3A_106 : i1 to i32
      %cond3A_108 = arith.constant 0 : i32
      %cond3A_109 = arith.cmpi ne, %convert_element_type3A_107, %cond3A_108 : i32
      scf.if %cond3A_109 {
        %add3A_133 = arith.constant 2 : i32
        %add3A_134 = arith.addi %mul3A_47, %add3A_133 : i32
        %add3A_135 = arith.constant 4 : i32
        %add3A_136 = arith.addi %add3A_134, %add3A_135 : i32
        %dma_start3A_137 = arith.constant 0 : i32
        %dma_start3A_138 = tpu.memref_slice %arg5[%add3A_136, %dma_start3A_137] : memref<200x128xi32, #tpu.memory_space<vmem>> -> memref<1x128xi32, #tpu.memory_space<vmem>>
        %dma_start3A_139 = tpu.memref_squeeze %dma_start3A_138 : memref<1x128xi32, #tpu.memory_space<vmem>> -> memref<128xi32, #tpu.memory_space<vmem>>
        %dma_start3A_140 = arith.constant 0 : i32
        %dma_start3A_141 = arith.constant 0 : i32
        %dma_start3A_142 = tpu.memref_slice %arg3[%dma_start3A_140, %dma_start3A_141] : memref<1000064x128xf32, #tpu.memory_space<hbm>> -> memref<1000064x128xf32, #tpu.memory_space<hbm>>
        tpu.enqueue_indirect_dma source(%dma_start3A_142 : memref<1000064x128xf32, #tpu.memory_space<hbm>>) target(%arg8 : memref<128x128xf32, #tpu.memory_space<vmem>>) offsets(%dma_start3A_139 : memref<128xi32, #tpu.memory_space<vmem>>) semaphore(%arg13 : memref<!tpu.dma_semaphore, #tpu.memory_space<semaphore_mem>>)
      } else {
      }
      %dma_wait3A_110 = arith.constant 0 : i32
      %dma_wait3A_111 = arith.constant 0 : i32
      %dma_wait3A_112 = tpu.memref_slice %arg3[%dma_wait3A_110, %dma_wait3A_111] : memref<1000064x128xf32, #tpu.memory_space<hbm>> -> memref<128x128xf32, #tpu.memory_space<hbm>>
      %dma_wait3A_113 = arith.constant 0 : i32
      %dma_wait3A_114 = arith.constant 0 : i32
      %dma_wait3A_115 = tpu.memref_slice %arg3[%dma_wait3A_113, %dma_wait3A_114] : memref<1000064x128xf32, #tpu.memory_space<hbm>> -> memref<128x128xf32, #tpu.memory_space<hbm>>
      tpu.wait_dma2 semaphore(%arg14 : memref<!tpu.dma_semaphore, #tpu.memory_space<semaphore_mem>>) src(%dma_wait3A_115 : memref<128x128xf32, #tpu.memory_space<hbm>>) dst(%arg9 : memref<128x128xf32, #tpu.memory_space<vmem>>)
      %scan3A_116 = arith.constant 0 : i32
      %scan3A_117 = arith.constant 0 : i32
      %scan3A_118 = arith.constant 32 : i32
      %scan3A_119 = arith.addi %scan3A_117, %scan3A_118 : i32
      %scan3A_120 = arith.constant 1 : i32
      %scan3A_121 = scf.for %scan3A_133 = %scan3A_117 to %scan3A_119 step %scan3A_120 iter_args(%scan3A_134 = %scan3A_116) -> (i32)  : i32 {
        %mul3A_135 = arith.constant 4 : i32
        %mul3A_136 = arith.muli %scan3A_133, %mul3A_135 : i32
        %add3A_137 = arith.constant 0 : i32
        %add3A_138 = arith.addi %mul3A_136, %add3A_137 : i32
        %add3A_139 = arith.constant 0 : i32
        %add3A_140 = arith.addi %mul3A_136, %add3A_139 : i32
        %get3A = arith.index_cast %add3A_140 : i32 to index
        %get3A_141 = arith.constant 0 : index
        %get3A_142 = tpu.vector_load %arg9[%get3A, %get3A_141] {strides = array<i32>} : memref<128x128xf32, #tpu.memory_space<vmem>>, vector<1x16xf32>,
        %get3A_143 = vector.shape_cast %get3A_142 : vector<1x16xf32> to vector<16xf32>
        %swap3A = arith.index_cast %add3A_138 : i32 to index
        %swap3A_144 = arith.constant 0 : index
        %swap3A_145 = tpu.vector_load %arg10[%swap3A, %swap3A_144] {strides = array<i32>} : memref<128x64xf32, #tpu.memory_space<vmem>>, vector<1x16xf32>,
        %swap3A_146 = vector.shape_cast %swap3A_145 : vector<1x16xf32> to vector<16xf32>
        %swap3A_147 = vector.shape_cast %get3A_143 : vector<16xf32> to vector<1x16xf32>
        tpu.vector_store %arg10[%swap3A, %swap3A_144], %swap3A_147 {add = true, strides = array<i32>} : memref<128x64xf32, #tpu.memory_space<vmem>>, vector<1x16xf32>,
        %add3A_148 = arith.constant 0 : i32
        %add3A_149 = arith.addi %mul3A_136, %add3A_148 : i32
        %add3A_150 = arith.constant 0 : i32
        %add3A_151 = arith.addi %mul3A_136, %add3A_150 : i32
        %get3A_152 = arith.index_cast %add3A_151 : i32 to index
        %get3A_153 = arith.constant 16 : index
        %get3A_154 = tpu.vector_load %arg9[%get3A_152, %get3A_153] {strides = array<i32>} : memref<128x128xf32, #tpu.memory_space<vmem>>, vector<1x16xf32>,
        %get3A_155 = vector.shape_cast %get3A_154 : vector<1x16xf32> to vector<16xf32>
        %swap3A_156 = arith.index_cast %add3A_149 : i32 to index
        %swap3A_157 = arith.constant 16 : index
        %swap3A_158 = tpu.vector_load %arg10[%swap3A_156, %swap3A_157] {strides = array<i32>} : memref<128x64xf32, #tpu.memory_space<vmem>>, vector<1x16xf32>,
        %swap3A_159 = vector.shape_cast %swap3A_158 : vector<1x16xf32> to vector<16xf32>
        %swap3A_160 = vector.shape_cast %get3A_155 : vector<16xf32> to vector<1x16xf32>
        tpu.vector_store %arg10[%swap3A_156, %swap3A_157], %swap3A_160 {add = true, strides = array<i32>} : memref<128x64xf32, #tpu.memory_space<vmem>>, vector<1x16xf32>,
        %add3A_161 = arith.constant 0 : i32
        %add3A_162 = arith.addi %mul3A_136, %add3A_161 : i32
        %add3A_163 = arith.constant 0 : i32
        %add3A_164 = arith.addi %mul3A_136, %add3A_163 : i32
        %get3A_165 = arith.index_cast %add3A_164 : i32 to index
        %get3A_166 = arith.constant 32 : index
        %get3A_167 = tpu.vector_load %arg9[%get3A_165, %get3A_166] {strides = array<i32>} : memref<128x128xf32, #tpu.memory_space<vmem>>, vector<1x16xf32>,
        %get3A_168 = vector.shape_cast %get3A_167 : vector<1x16xf32> to vector<16xf32>
        %swap3A_169 = arith.index_cast %add3A_162 : i32 to index
        %swap3A_170 = arith.constant 32 : index
        %swap3A_171 = tpu.vector_load %arg10[%swap3A_169, %swap3A_170] {strides = array<i32>} : memref<128x64xf32, #tpu.memory_space<vmem>>, vector<1x16xf32>,
        %swap3A_172 = vector.shape_cast %swap3A_171 : vector<1x16xf32> to vector<16xf32>
        %swap3A_173 = vector.shape_cast %get3A_168 : vector<16xf32> to vector<1x16xf32>
        tpu.vector_store %arg10[%swap3A_169, %swap3A_170], %swap3A_173 {add = true, strides = array<i32>} : memref<128x64xf32, #tpu.memory_space<vmem>>, vector<1x16xf32>,
        %add3A_174 = arith.constant 0 : i32
        %add3A_175 = arith.addi %mul3A_136, %add3A_174 : i32
        %add3A_176 = arith.constant 0 : i32
        %add3A_177 = arith.addi %mul3A_136, %add3A_176 : i32
        %get3A_178 = arith.index_cast %add3A_177 : i32 to index
        %get3A_179 = arith.constant 48 : index
        %get3A_180 = tpu.vector_load %arg9[%get3A_178, %get3A_179] {strides = array<i32>} : memref<128x128xf32, #tpu.memory_space<vmem>>, vector<1x16xf32>,
        %get3A_181 = vector.shape_cast %get3A_180 : vector<1x16xf32> to vector<16xf32>
        %swap3A_182 = arith.index_cast %add3A_175 : i32 to index
        %swap3A_183 = arith.constant 48 : index
        %swap3A_184 = tpu.vector_load %arg10[%swap3A_182, %swap3A_183] {strides = array<i32>} : memref<128x64xf32, #tpu.memory_space<vmem>>, vector<1x16xf32>,
        %swap3A_185 = vector.shape_cast %swap3A_184 : vector<1x16xf32> to vector<16xf32>
        %swap3A_186 = vector.shape_cast %get3A_181 : vector<16xf32> to vector<1x16xf32>
        tpu.vector_store %arg10[%swap3A_182, %swap3A_183], %swap3A_186 {add = true, strides = array<i32>} : memref<128x64xf32, #tpu.memory_space<vmem>>, vector<1x16xf32>,
        %add3A_187 = arith.constant 1 : i32
        %add3A_188 = arith.addi %mul3A_136, %add3A_187 : i32
        %add3A_189 = arith.constant 1 : i32
        %add3A_190 = arith.addi %mul3A_136, %add3A_189 : i32
        %get3A_191 = arith.index_cast %add3A_190 : i32 to index
        %get3A_192 = arith.constant 0 : index
        %get3A_193 = tpu.vector_load %arg9[%get3A_191, %get3A_192] {strides = array<i32>} : memref<128x128xf32, #tpu.memory_space<vmem>>, vector<1x16xf32>,
        %get3A_194 = vector.shape_cast %get3A_193 : vector<1x16xf32> to vector<16xf32>
        %swap3A_195 = arith.index_cast %add3A_188 : i32 to index
        %swap3A_196 = arith.constant 0 : index
        %swap3A_197 = tpu.vector_load %arg10[%swap3A_195, %swap3A_196] {strides = array<i32>} : memref<128x64xf32, #tpu.memory_space<vmem>>, vector<1x16xf32>,
        %swap3A_198 = vector.shape_cast %swap3A_197 : vector<1x16xf32> to vector<16xf32>
        %swap3A_199 = vector.shape_cast %get3A_194 : vector<16xf32> to vector<1x16xf32>
        tpu.vector_store %arg10[%swap3A_195, %swap3A_196], %swap3A_199 {add = true, strides = array<i32>} : memref<128x64xf32, #tpu.memory_space<vmem>>, vector<1x16xf32>,
        %add3A_200 = arith.constant 1 : i32
        %add3A_201 = arith.addi %mul3A_136, %add3A_200 : i32
        %add3A_202 = arith.constant 1 : i32
        %add3A_203 = arith.addi %mul3A_136, %add3A_202 : i32
        %get3A_204 = arith.index_cast %add3A_203 : i32 to index
        %get3A_205 = arith.constant 16 : index
        %get3A_206 = tpu.vector_load %arg9[%get3A_204, %get3A_205] {strides = array<i32>} : memref<128x128xf32, #tpu.memory_space<vmem>>, vector<1x16xf32>,
        %get3A_207 = vector.shape_cast %get3A_206 : vector<1x16xf32> to vector<16xf32>
        %swap3A_208 = arith.index_cast %add3A_201 : i32 to index
        %swap3A_209 = arith.constant 16 : index
        %swap3A_210 = tpu.vector_load %arg10[%swap3A_208, %swap3A_209] {strides = array<i32>} : memref<128x64xf32, #tpu.memory_space<vmem>>, vector<1x16xf32>,
        %swap3A_211 = vector.shape_cast %swap3A_210 : vector<1x16xf32> to vector<16xf32>
        %swap3A_212 = vector.shape_cast %get3A_207 : vector<16xf32> to vector<1x16xf32>
        tpu.vector_store %arg10[%swap3A_208, %swap3A_209], %swap3A_212 {add = true, strides = array<i32>} : memref<128x64xf32, #tpu.memory_space<vmem>>, vector<1x16xf32>,
        %add3A_213 = arith.constant 1 : i32
        %add3A_214 = arith.addi %mul3A_136, %add3A_213 : i32
        %add3A_215 = arith.constant 1 : i32
        %add3A_216 = arith.addi %mul3A_136, %add3A_215 : i32
        %get3A_217 = arith.index_cast %add3A_216 : i32 to index
        %get3A_218 = arith.constant 32 : index
        %get3A_219 = tpu.vector_load %arg9[%get3A_217, %get3A_218] {strides = array<i32>} : memref<128x128xf32, #tpu.memory_space<vmem>>, vector<1x16xf32>,
        %get3A_220 = vector.shape_cast %get3A_219 : vector<1x16xf32> to vector<16xf32>
        %swap3A_221 = arith.index_cast %add3A_214 : i32 to index
        %swap3A_222 = arith.constant 32 : index
        %swap3A_223 = tpu.vector_load %arg10[%swap3A_221, %swap3A_222] {strides = array<i32>} : memref<128x64xf32, #tpu.memory_space<vmem>>, vector<1x16xf32>,
        %swap3A_224 = vector.shape_cast %swap3A_223 : vector<1x16xf32> to vector<16xf32>
        %swap3A_225 = vector.shape_cast %get3A_220 : vector<16xf32> to vector<1x16xf32>
        tpu.vector_store %arg10[%swap3A_221, %swap3A_222], %swap3A_225 {add = true, strides = array<i32>} : memref<128x64xf32, #tpu.memory_space<vmem>>, vector<1x16xf32>,
        %add3A_226 = arith.constant 1 : i32
        %add3A_227 = arith.addi %mul3A_136, %add3A_226 : i32
        %add3A_228 = arith.constant 1 : i32
        %add3A_229 = arith.addi %mul3A_136, %add3A_228 : i32
        %get3A_230 = arith.index_cast %add3A_229 : i32 to index
        %get3A_231 = arith.constant 48 : index
        %get3A_232 = tpu.vector_load %arg9[%get3A_230, %get3A_231] {strides = array<i32>} : memref<128x128xf32, #tpu.memory_space<vmem>>, vector<1x16xf32>,
        %get3A_233 = vector.shape_cast %get3A_232 : vector<1x16xf32> to vector<16xf32>
        %swap3A_234 = arith.index_cast %add3A_227 : i32 to index
        %swap3A_235 = arith.constant 48 : index
        %swap3A_236 = tpu.vector_load %arg10[%swap3A_234, %swap3A_235] {strides = array<i32>} : memref<128x64xf32, #tpu.memory_space<vmem>>, vector<1x16xf32>,
        %swap3A_237 = vector.shape_cast %swap3A_236 : vector<1x16xf32> to vector<16xf32>
        %swap3A_238 = vector.shape_cast %get3A_233 : vector<16xf32> to vector<1x16xf32>
        tpu.vector_store %arg10[%swap3A_234, %swap3A_235], %swap3A_238 {add = true, strides = array<i32>} : memref<128x64xf32, #tpu.memory_space<vmem>>, vector<1x16xf32>,
        %add3A_239 = arith.constant 2 : i32
        %add3A_240 = arith.addi %mul3A_136, %add3A_239 : i32
        %add3A_241 = arith.constant 2 : i32
        %add3A_242 = arith.addi %mul3A_136, %add3A_241 : i32
        %get3A_243 = arith.index_cast %add3A_242 : i32 to index
        %get3A_244 = arith.constant 0 : index
        %get3A_245 = tpu.vector_load %arg9[%get3A_243, %get3A_244] {strides = array<i32>} : memref<128x128xf32, #tpu.memory_space<vmem>>, vector<1x16xf32>,
        %get3A_246 = vector.shape_cast %get3A_245 : vector<1x16xf32> to vector<16xf32>
        %swap3A_247 = arith.index_cast %add3A_240 : i32 to index
        %swap3A_248 = arith.constant 0 : index
        %swap3A_249 = tpu.vector_load %arg10[%swap3A_247, %swap3A_248] {strides = array<i32>} : memref<128x64xf32, #tpu.memory_space<vmem>>, vector<1x16xf32>,
        %swap3A_250 = vector.shape_cast %swap3A_249 : vector<1x16xf32> to vector<16xf32>
        %swap3A_251 = vector.shape_cast %get3A_246 : vector<16xf32> to vector<1x16xf32>
        tpu.vector_store %arg10[%swap3A_247, %swap3A_248], %swap3A_251 {add = true, strides = array<i32>} : memref<128x64xf32, #tpu.memory_space<vmem>>, vector<1x16xf32>,
        %add3A_252 = arith.constant 2 : i32
        %add3A_253 = arith.addi %mul3A_136, %add3A_252 : i32
        %add3A_254 = arith.constant 2 : i32
        %add3A_255 = arith.addi %mul3A_136, %add3A_254 : i32
        %get3A_256 = arith.index_cast %add3A_255 : i32 to index
        %get3A_257 = arith.constant 16 : index
        %get3A_258 = tpu.vector_load %arg9[%get3A_256, %get3A_257] {strides = array<i32>} : memref<128x128xf32, #tpu.memory_space<vmem>>, vector<1x16xf32>,
        %get3A_259 = vector.shape_cast %get3A_258 : vector<1x16xf32> to vector<16xf32>
        %swap3A_260 = arith.index_cast %add3A_253 : i32 to index
        %swap3A_261 = arith.constant 16 : index
        %swap3A_262 = tpu.vector_load %arg10[%swap3A_260, %swap3A_261] {strides = array<i32>} : memref<128x64xf32, #tpu.memory_space<vmem>>, vector<1x16xf32>,
        %swap3A_263 = vector.shape_cast %swap3A_262 : vector<1x16xf32> to vector<16xf32>
        %swap3A_264 = vector.shape_cast %get3A_259 : vector<16xf32> to vector<1x16xf32>
        tpu.vector_store %arg10[%swap3A_260, %swap3A_261], %swap3A_264 {add = true, strides = array<i32>} : memref<128x64xf32, #tpu.memory_space<vmem>>, vector<1x16xf32>,
        %add3A_265 = arith.constant 2 : i32
        %add3A_266 = arith.addi %mul3A_136, %add3A_265 : i32
        %add3A_267 = arith.constant 2 : i32
        %add3A_268 = arith.addi %mul3A_136, %add3A_267 : i32
        %get3A_269 = arith.index_cast %add3A_268 : i32 to index
        %get3A_270 = arith.constant 32 : index
        %get3A_271 = tpu.vector_load %arg9[%get3A_269, %get3A_270] {strides = array<i32>} : memref<128x128xf32, #tpu.memory_space<vmem>>, vector<1x16xf32>,
        %get3A_272 = vector.shape_cast %get3A_271 : vector<1x16xf32> to vector<16xf32>
        %swap3A_273 = arith.index_cast %add3A_266 : i32 to index
        %swap3A_274 = arith.constant 32 : index
        %swap3A_275 = tpu.vector_load %arg10[%swap3A_273, %swap3A_274] {strides = array<i32>} : memref<128x64xf32, #tpu.memory_space<vmem>>, vector<1x16xf32>,
        %swap3A_276 = vector.shape_cast %swap3A_275 : vector<1x16xf32> to vector<16xf32>
        %swap3A_277 = vector.shape_cast %get3A_272 : vector<16xf32> to vector<1x16xf32>
        tpu.vector_store %arg10[%swap3A_273, %swap3A_274], %swap3A_277 {add = true, strides = array<i32>} : memref<128x64xf32, #tpu.memory_space<vmem>>, vector<1x16xf32>,
        %add3A_278 = arith.constant 2 : i32
        %add3A_279 = arith.addi %mul3A_136, %add3A_278 : i32
        %add3A_280 = arith.constant 2 : i32
        %add3A_281 = arith.addi %mul3A_136, %add3A_280 : i32
        %get3A_282 = arith.index_cast %add3A_281 : i32 to index
        %get3A_283 = arith.constant 48 : index
        %get3A_284 = tpu.vector_load %arg9[%get3A_282, %get3A_283] {strides = array<i32>} : memref<128x128xf32, #tpu.memory_space<vmem>>, vector<1x16xf32>,
        %get3A_285 = vector.shape_cast %get3A_284 : vector<1x16xf32> to vector<16xf32>
        %swap3A_286 = arith.index_cast %add3A_279 : i32 to index
        %swap3A_287 = arith.constant 48 : index
        %swap3A_288 = tpu.vector_load %arg10[%swap3A_286, %swap3A_287] {strides = array<i32>} : memref<128x64xf32, #tpu.memory_space<vmem>>, vector<1x16xf32>,
        %swap3A_289 = vector.shape_cast %swap3A_288 : vector<1x16xf32> to vector<16xf32>
        %swap3A_290 = vector.shape_cast %get3A_285 : vector<16xf32> to vector<1x16xf32>
        tpu.vector_store %arg10[%swap3A_286, %swap3A_287], %swap3A_290 {add = true, strides = array<i32>} : memref<128x64xf32, #tpu.memory_space<vmem>>, vector<1x16xf32>,
        %add3A_291 = arith.constant 3 : i32
        %add3A_292 = arith.addi %mul3A_136, %add3A_291 : i32
        %add3A_293 = arith.constant 3 : i32
        %add3A_294 = arith.addi %mul3A_136, %add3A_293 : i32
        %get3A_295 = arith.index_cast %add3A_294 : i32 to index
        %get3A_296 = arith.constant 0 : index
        %get3A_297 = tpu.vector_load %arg9[%get3A_295, %get3A_296] {strides = array<i32>} : memref<128x128xf32, #tpu.memory_space<vmem>>, vector<1x16xf32>,
        %get3A_298 = vector.shape_cast %get3A_297 : vector<1x16xf32> to vector<16xf32>
        %swap3A_299 = arith.index_cast %add3A_292 : i32 to index
        %swap3A_300 = arith.constant 0 : index
        %swap3A_301 = tpu.vector_load %arg10[%swap3A_299, %swap3A_300] {strides = array<i32>} : memref<128x64xf32, #tpu.memory_space<vmem>>, vector<1x16xf32>,
        %swap3A_302 = vector.shape_cast %swap3A_301 : vector<1x16xf32> to vector<16xf32>
        %swap3A_303 = vector.shape_cast %get3A_298 : vector<16xf32> to vector<1x16xf32>
        tpu.vector_store %arg10[%swap3A_299, %swap3A_300], %swap3A_303 {add = true, strides = array<i32>} : memref<128x64xf32, #tpu.memory_space<vmem>>, vector<1x16xf32>,
        %add3A_304 = arith.constant 3 : i32
        %add3A_305 = arith.addi %mul3A_136, %add3A_304 : i32
        %add3A_306 = arith.constant 3 : i32
        %add3A_307 = arith.addi %mul3A_136, %add3A_306 : i32
        %get3A_308 = arith.index_cast %add3A_307 : i32 to index
        %get3A_309 = arith.constant 16 : index
        %get3A_310 = tpu.vector_load %arg9[%get3A_308, %get3A_309] {strides = array<i32>} : memref<128x128xf32, #tpu.memory_space<vmem>>, vector<1x16xf32>,
        %get3A_311 = vector.shape_cast %get3A_310 : vector<1x16xf32> to vector<16xf32>
        %swap3A_312 = arith.index_cast %add3A_305 : i32 to index
        %swap3A_313 = arith.constant 16 : index
        %swap3A_314 = tpu.vector_load %arg10[%swap3A_312, %swap3A_313] {strides = array<i32>} : memref<128x64xf32, #tpu.memory_space<vmem>>, vector<1x16xf32>,
        %swap3A_315 = vector.shape_cast %swap3A_314 : vector<1x16xf32> to vector<16xf32>
        %swap3A_316 = vector.shape_cast %get3A_311 : vector<16xf32> to vector<1x16xf32>
        tpu.vector_store %arg10[%swap3A_312, %swap3A_313], %swap3A_316 {add = true, strides = array<i32>} : memref<128x64xf32, #tpu.memory_space<vmem>>, vector<1x16xf32>,
        %add3A_317 = arith.constant 3 : i32
        %add3A_318 = arith.addi %mul3A_136, %add3A_317 : i32
        %add3A_319 = arith.constant 3 : i32
        %add3A_320 = arith.addi %mul3A_136, %add3A_319 : i32
        %get3A_321 = arith.index_cast %add3A_320 : i32 to index
        %get3A_322 = arith.constant 32 : index
        %get3A_323 = tpu.vector_load %arg9[%get3A_321, %get3A_322] {strides = array<i32>} : memref<128x128xf32, #tpu.memory_space<vmem>>, vector<1x16xf32>,
        %get3A_324 = vector.shape_cast %get3A_323 : vector<1x16xf32> to vector<16xf32>
        %swap3A_325 = arith.index_cast %add3A_318 : i32 to index
        %swap3A_326 = arith.constant 32 : index
        %swap3A_327 = tpu.vector_load %arg10[%swap3A_325, %swap3A_326] {strides = array<i32>} : memref<128x64xf32, #tpu.memory_space<vmem>>, vector<1x16xf32>,
        %swap3A_328 = vector.shape_cast %swap3A_327 : vector<1x16xf32> to vector<16xf32>
        %swap3A_329 = vector.shape_cast %get3A_324 : vector<16xf32> to vector<1x16xf32>
        tpu.vector_store %arg10[%swap3A_325, %swap3A_326], %swap3A_329 {add = true, strides = array<i32>} : memref<128x64xf32, #tpu.memory_space<vmem>>, vector<1x16xf32>,
        %add3A_330 = arith.constant 3 : i32
        %add3A_331 = arith.addi %mul3A_136, %add3A_330 : i32
        %add3A_332 = arith.constant 3 : i32
        %add3A_333 = arith.addi %mul3A_136, %add3A_332 : i32
        %get3A_334 = arith.index_cast %add3A_333 : i32 to index
        %get3A_335 = arith.constant 48 : index
        %get3A_336 = tpu.vector_load %arg9[%get3A_334, %get3A_335] {strides = array<i32>} : memref<128x128xf32, #tpu.memory_space<vmem>>, vector<1x16xf32>,
        %get3A_337 = vector.shape_cast %get3A_336 : vector<1x16xf32> to vector<16xf32>
        %swap3A_338 = arith.index_cast %add3A_331 : i32 to index
        %swap3A_339 = arith.constant 48 : index
        %swap3A_340 = tpu.vector_load %arg10[%swap3A_338, %swap3A_339] {strides = array<i32>} : memref<128x64xf32, #tpu.memory_space<vmem>>, vector<1x16xf32>,
        %swap3A_341 = vector.shape_cast %swap3A_340 : vector<1x16xf32> to vector<16xf32>
        %swap3A_342 = vector.shape_cast %get3A_337 : vector<16xf32> to vector<1x16xf32>
        tpu.vector_store %arg10[%swap3A_338, %swap3A_339], %swap3A_342 {add = true, strides = array<i32>} : memref<128x64xf32, #tpu.memory_space<vmem>>, vector<1x16xf32>,
        %scan3A_343 = arith.constant 0 : i32
        scf.yield %scan3A_343 : i32
      }
      %scan3A_122 = arith.constant 32 : i32
      %add3A_123 = arith.constant 3 : i32
      %add3A_124 = arith.addi %mul3A_47, %add3A_123 : i32
      %add3A_125 = arith.constant 4 : i32
      %add3A_126 = arith.addi %add3A_124, %add3A_125 : i32
      %lt3A_127 = arith.constant 200 : i32
      %lt3A_128 = arith.cmpi slt, %add3A_126, %lt3A_127 : i32
      %convert_element_type3A_129 = arith.extui %lt3A_128 : i1 to i32
      %cond3A_130 = arith.constant 0 : i32
      %cond3A_131 = arith.cmpi ne, %convert_element_type3A_129, %cond3A_130 : i32
      scf.if %cond3A_131 {
        %add3A_133 = arith.constant 3 : i32
        %add3A_134 = arith.addi %mul3A_47, %add3A_133 : i32
        %add3A_135 = arith.constant 4 : i32
        %add3A_136 = arith.addi %add3A_134, %add3A_135 : i32
        %dma_start3A_137 = arith.constant 0 : i32
        %dma_start3A_138 = tpu.memref_slice %arg5[%add3A_136, %dma_start3A_137] : memref<200x128xi32, #tpu.memory_space<vmem>> -> memref<1x128xi32, #tpu.memory_space<vmem>>
        %dma_start3A_139 = tpu.memref_squeeze %dma_start3A_138 : memref<1x128xi32, #tpu.memory_space<vmem>> -> memref<128xi32, #tpu.memory_space<vmem>>
        %dma_start3A_140 = arith.constant 0 : i32
        %dma_start3A_141 = arith.constant 0 : i32
        %dma_start3A_142 = tpu.memref_slice %arg3[%dma_start3A_140, %dma_start3A_141] : memref<1000064x128xf32, #tpu.memory_space<hbm>> -> memref<1000064x128xf32, #tpu.memory_space<hbm>>
        tpu.enqueue_indirect_dma source(%dma_start3A_142 : memref<1000064x128xf32, #tpu.memory_space<hbm>>) target(%arg9 : memref<128x128xf32, #tpu.memory_space<vmem>>) offsets(%dma_start3A_139 : memref<128xi32, #tpu.memory_space<vmem>>) semaphore(%arg14 : memref<!tpu.dma_semaphore, #tpu.memory_space<semaphore_mem>>)
      } else {
      }
      %scan3A_132 = arith.constant 0 : i32
      scf.yield %scan3A_132 : i32
    }
    %scan3A_43 = arith.constant 50 : i32
    "tpu.region"() ({
      %run_scoped3A = tpu.sem_alloc : memref<!tpu.dma_semaphore, #tpu.memory_space<semaphore_mem>>
      %dma_start3A_44 = arith.constant 0 : i32
      %dma_start3A_45 = tpu.memref_slice %arg4[%mul3A_2, %dma_start3A_44] : memref<4096x64xf32, #tpu.memory_space<hbm>> -> memref<128x64xf32, #tpu.memory_space<hbm>>
      %dma_start3A_46 = arith.constant 0 : i32
      %dma_start3A_47 = tpu.memref_slice %arg4[%mul3A_2, %dma_start3A_46] : memref<4096x64xf32, #tpu.memory_space<hbm>> -> memref<128x64xf32, #tpu.memory_space<hbm>>
      tpu.enqueue_dma source(%arg10 : memref<128x64xf32, #tpu.memory_space<vmem>>) target(%dma_start3A_47 : memref<128x64xf32, #tpu.memory_space<hbm>>) target_semaphore(%run_scoped3A : memref<!tpu.dma_semaphore, #tpu.memory_space<semaphore_mem>>)
      %dma_wait3A = arith.constant 0 : i32
      %dma_wait3A_48 = tpu.memref_slice %arg4[%mul3A_2, %dma_wait3A] : memref<4096x64xf32, #tpu.memory_space<hbm>> -> memref<128x64xf32, #tpu.memory_space<hbm>>
      %dma_wait3A_49 = arith.constant 0 : i32
      %dma_wait3A_50 = tpu.memref_slice %arg4[%mul3A_2, %dma_wait3A_49] : memref<4096x64xf32, #tpu.memory_space<hbm>> -> memref<128x64xf32, #tpu.memory_space<hbm>>
      tpu.wait_dma2 semaphore(%run_scoped3A : memref<!tpu.dma_semaphore, #tpu.memory_space<semaphore_mem>>) src(%arg10 : memref<128x64xf32, #tpu.memory_space<vmem>>) dst(%dma_wait3A_50 : memref<128x64xf32, #tpu.memory_space<hbm>>)
      tpu.yield
    }) : () -> ()
    return
  }
}

module attributes {stable_mosaic.version = 14 : i64} {
  func.func @_linear_body(%arg0: i32, %arg1: memref<512x64xf32, #tpu.memory_space<vmem>>, %arg2: memref<32x64xf32, #tpu.memory_space<vmem>>, %arg3: memref<1x32xf32, #tpu.memory_space<vmem>>, %arg4: memref<512x32xf32, #tpu.memory_space<vmem>>) attributes {dimension_semantics = [#tpu.dimension_semantics<arbitrary>], iteration_bounds = array<i64: 8>, scalar_prefetch = 0 : i64, scratch_operands = 0 : i64, tpu.core_type = #tpu.core_type<tc>, window_params = [{transform_indices = @transform_0, window_bounds = array<i64: 512, 64>}, {pipeline_mode = #tpu.pipeline_mode<synchronous>, transform_indices = @transform_1, window_bounds = array<i64: 32, 64>}, {pipeline_mode = #tpu.pipeline_mode<synchronous>, transform_indices = @transform_2, window_bounds = array<i64: 1, 32>}, {transform_indices = @transform_3, window_bounds = array<i64: 512, 32>}]} {
    %get3A = arith.constant 0 : index
    %get3A_0 = arith.constant 0 : index
    %get3A_1 = vector.load %arg1[%get3A, %get3A_0] : memref<512x64xf32, #tpu.memory_space<vmem>>, vector<512x64xf32>
    %get3A_2 = arith.constant 0 : index
    %get3A_3 = arith.constant 0 : index
    %get3A_4 = vector.load %arg2[%get3A_2, %get3A_3] : memref<32x64xf32, #tpu.memory_space<vmem>>, vector<32x64xf32>
    %dot_general3A = arith.constant dense<0.000000e+00> : vector<512x32xf32>
    %dot_general3A_5 = tpu.matmul %get3A_1, %get3A_4, %dot_general3A {dimension_numbers = #tpu.dot_dimension_numbers<[1], [1], [0], [0], [0, 0, 1, 0], [], []>, transpose_lhs_hint = false} : vector<512x64xf32>, vector<32x64xf32>, vector<512x32xf32> -> vector<512x32xf32>
    %mul3A = arith.constant 5.000000e-03 : f32
    %mul3A_6 = vector.broadcast %mul3A : f32 to vector<512x32xf32>
    %mul3A_7 = arith.mulf %dot_general3A_5, %mul3A_6 : vector<512x32xf32>
    %get3A_8 = arith.constant 0 : index
    %get3A_9 = arith.constant 0 : index
    %get3A_10 = vector.load %arg3[%get3A_8, %get3A_9] : memref<1x32xf32, #tpu.memory_space<vmem>>, vector<1x32xf32>
    %add3A = vector.broadcast %get3A_10 : vector<1x32xf32> to vector<512x32xf32>
    %add3A_11 = arith.addf %mul3A_7, %add3A : vector<512x32xf32>
    %swap3A = arith.constant 0 : index
    %swap3A_12 = arith.constant 0 : index
    %swap3A_13 = vector.load %arg4[%swap3A, %swap3A_12] : memref<512x32xf32, #tpu.memory_space<vmem>>, vector<512x32xf32>
    tpu.vector_store %arg4[%swap3A, %swap3A_12], %add3A_11 {strides = array<i32>} : memref<512x32xf32, #tpu.memory_space<vmem>>, vector<512x32xf32>,
    return
  }
  func.func @transform_0(%arg0: i32) -> (i32, i32) {
    %c0_i32 = arith.constant 0 : i32
    %c0_i32_0 = arith.constant 0 : i32
    return %arg0, %c0_i32 : i32, i32
  }
  func.func @transform_1(%arg0: i32) -> (i32, i32) {
    %c0_i32 = arith.constant 0 : i32
    %c0_i32_0 = arith.constant 0 : i32
    %c0_i32_1 = arith.constant 0 : i32
    return %c0_i32, %c0_i32_0 : i32, i32
  }
  func.func @transform_2(%arg0: i32) -> (i32, i32) {
    %c0_i32 = arith.constant 0 : i32
    %c0_i32_0 = arith.constant 0 : i32
    %c0_i32_1 = arith.constant 0 : i32
    return %c0_i32, %c0_i32_0 : i32, i32
  }
  func.func @transform_3(%arg0: i32) -> (i32, i32) {
    %c0_i32 = arith.constant 0 : i32
    %c0_i32_0 = arith.constant 0 : i32
    return %arg0, %c0_i32 : i32, i32
  }
}

</mosaic_0001>

<sc_bundles>
// kernel: kernel.5.cloned.1.call-start
scs
__scs_entry_jumppad:
0x0: {  	(pc) =	sbr.rel $0x88, $3  }
0x1: {  	(tag) =	ssettag $0x0;
	lr =	simm.s32 $0x1  }
0x2: {  	[smem:$0x3F9D] =	sst lr;
	_ =	strace $0xD0000000  }
0x3: {  	_ = 	snop  }
0x4: {  	_ = 	snop  }
0x5: {  	_ = 	snop  }
0x6: {  	_ = 	snop  }
0x7: {  	_ = 	snop  }
__scs_overlays_trampoline_lowered:
0x8: {  	[smem:$0x3FAC] =	sst s0  }
0x9: {  	[smem:$0x3FAD] =	sst s1  }
0xa: {  	[smem:$0x3FAE] =	sst s2  }
0xb: {  	[smem:$0x3FAF] =	sst s3  }
0xc: {  	[smem:$0x3FB0] =	sst s4  }
0xd: {  	[smem:$0x3FB1] =	sst s5  }
0xe: {  	[smem:$0x3FB2] =	sst s6  }
0xf: {  	[smem:$0x3FB3] =	sst s7  }
0x10: {  	[smem:$0x3FB4] =	sst s8  }
0x11: {  	[smem:$0x3FB5] =	sst s9;
	s0 =	simm.s32 @!p0 $0x0  }
0x12: {  	s1 =	sld [smem:$0x3F9B];
	s0 =	simm.s32 @p0 $0x1  }
0x13: {  	[smem:$0x3FB6] =	sst s0;
	s0 =	simm.s32 @!p1 $0x0  }
0x14: {  	s2 =	sld [smem:$0x3F9A];
	s0 =	simm.s32 @p1 $0x1  }
0x15: {  	[smem:$0x3FB7] =	sst s0;
	s0 =	simm.s32 @!p2 $0x0  }
0x16: {  	s3 =	sld [smem:$0x3FDB];
	s0 =	simm.s32 @p2 $0x1  }
0x17: {  	s4 =	simm.s32 $0x1BF5;
	[smem:$0x3FB9] =	sst s0  }
0x18: {  	s0 =	sld [smem:$0x3F9C];
	_ =	swait.ge [sflag:s4], $0x0  }
0x19: {  	s7 =	sld [smem:$0x3F9D]  }
0x1a: {  	s8 =	sadd.s32 $0xFFFFE003, lr  }
0x1b: {  	s9 =	sadd.s32 $0xFFFFFEF7, lr;
	s5 =	simm.s32 $0xFFFFFFFF;
	p2 =	slt.u32 s8, $0xFFFFF086  }
0x1c: {  	p1 =	slt.u32 s9, $0xF7A;
	s5 =	simm.s32 @!p2 $0x0  }
0x1d: {  	s5 =	simm.s32 @p1 $0x1;
	p0 =	seq.s32 s7, s2  }
0x1e: {  	s7 =	smul.u32 @!p0 $0xF7A, s2;
	p2 =	seq.s32 @!p0 s5, $0x0  }
0x1f: {  	s9 =	smul.u32 $0xF7A, s1;
	s8 =	simm.s32 @!p0 $0x1BF5;
	p2 =	por !p2, p0  }
0x20: {  	[sflag:s8] =	ssyncset.s32 @!p0 $0xFFFFF086;
	s6 =	sadd.s32 @!p0 s3, s7;
	s7 =	simm.s32 @!p0 $0x108  }
0x21: {  	s3 =	sadd.s32 s3, s9;
	s6 =	sadd.s32 @!p0 $0x88, s6;
	s7 =	simm.s32 @p2 $0x1082  }
0x22: {  	[simem:s7], [sflag:s8] =	dma.local @!p0 [hbm:s6], $0xF7A  }
0x23: {  	s9 =	sor.u32 $0xD0000000, s2;
	s6 =	simm.s32 $0x108;
	_ =	swait.ge @!p0 [sflag:s8], $0x0  }
0x24: {  	s3 =	sadd.s32 $0x88, s3;
	s6 =	simm.s32 @!p1 $0x1082;
	[sflag:s4] =	ssyncset.s32 $0xFFFFF086  }
0x25: {  	[simem:s6], [sflag:s4] =	dma.local [hbm:s3], $0xF7A  }
0x26: {  	[smem:$0x3F9D] =	sst s1;
	(tag) =	ssettag s2;
	_ =	strace s9  }
0x27: {  	s1 =	sld [smem:$0x3FAD]  }
0x28: {  	s2 =	sld [smem:$0x3FAE]  }
0x29: {  	s4 =	sld [smem:$0x3FB0]  }
0x2a: {  	p0 =	seq.s32 s5, $0x0;
	s5 =	sld [smem:$0x3FB1]  }
0x2b: {  	s6 =	sld [smem:$0x3FB2]  }
0x2c: {  	s7 =	sld [smem:$0x3FB3]  }
0x2d: {  	s3 =	simm.s32 $0x108;
	s8 =	sld [smem:$0x3FB4]  }
0x2e: {  	s3 =	simm.s32 @!p0 $0x1082;
	s9 =	sld [smem:$0x3FB5]  }
0x2f: {  	lr =	sadd.s32 s0, s3;
	s0 =	sld [smem:$0x3FAC]  }
0x30: {  	s3 =	sld [smem:$0x3FAF]  }
0x31: {  	[smem:$0x3FB8] =	sst s10  }
0x32: {  	s10 =	sld [smem:$0x3FB6];
	_ =	sdelay $0x3  }
0x33: {  	p0 =	seq.s32 s10, $0x1;
	s10 =	sld [smem:$0x3FB8];
	_ =	sdelay $0x3  }
0x34: {  	[smem:$0x3FB8] =	sst s10  }
0x35: {  	s10 =	sld [smem:$0x3FB7];
	_ =	sdelay $0x3  }
0x36: {  	p1 =	seq.s32 s10, $0x1;
	s10 =	sld [smem:$0x3FB8];
	_ =	sdelay $0x3  }
0x37: {  	[smem:$0x3FB8] =	sst s10  }
0x38: {  	s10 =	sld [smem:$0x3FB9]  }
0x39: {  	_ = 	snop;
	(pc) =	sbr.ind lr, $3  }
0x3a: {  	_ = 	snop  }
0x3b: {  	_ = 	snop  }
0x3c: {  	p2 =	seq.s32 s10, $0x1;
	s10 =	sld [smem:$0x3FB8]  }
0x3d: {  	_ =	shalt  }
0x3e: {  	_ =	shalt  }
0x3f: {  	_ =	shalt  }
0x40: {  	_ =	shalt  }
0x41: {  	_ =	shalt  }
0x42: {  	_ =	shalt  }
0x43: {  	_ =	shalt  }
0x44: {  	_ =	shalt  }
0x45: {  	_ =	shalt  }
0x46: {  	_ =	shalt  }
0x47: {  	_ =	shalt  }
0x48: {  	_ =	shalt  }
0x49: {  	_ =	shalt  }
0x4a: {  	_ =	shalt  }
0x4b: {  	_ =	shalt  }
0x4c: {  	_ =	shalt  }
0x4d: {  	_ =	shalt  }
0x4e: {  	_ =	shalt  }
0x4f: {  	_ =	shalt  }
0x50: {  	_ =	shalt  }
0x51: {  	_ =	shalt  }
0x52: {  	_ =	shalt  }
0x53: {  	_ =	shalt  }
0x54: {  	_ =	shalt  }
0x55: {  	_ =	shalt  }
0x56: {  	_ =	shalt  }
0x57: {  	_ =	shalt  }
0x58: {  	_ =	shalt  }
0x59: {  	_ =	shalt  }
0x5a: {  	_ =	shalt  }
0x5b: {  	_ =	shalt  }
0x5c: {  	_ =	shalt  }
0x5d: {  	_ =	shalt  }
0x5e: {  	_ =	shalt  }
0x5f: {  	_ =	shalt  }
0x60: {  	_ =	shalt  }
0x61: {  	_ =	shalt  }
0x62: {  	_ =	shalt  }
0x63: {  	_ =	shalt  }
0x64: {  	_ =	shalt  }
0x65: {  	_ =	shalt  }
0x66: {  	_ =	shalt  }
0x67: {  	_ =	shalt  }
0x68: {  	_ =	shalt  }
0x69: {  	_ =	shalt  }
0x6a: {  	_ =	shalt  }
0x6b: {  	_ =	shalt  }
0x6c: {  	_ =	shalt  }
0x6d: {  	_ =	shalt  }
0x6e: {  	_ =	shalt  }
0x6f: {  	_ =	shalt  }
0x70: {  	_ =	shalt  }
0x71: {  	_ =	shalt  }
0x72: {  	_ =	shalt  }
0x73: {  	_ =	shalt  }
0x74: {  	_ =	shalt  }
0x75: {  	_ =	shalt  }
0x76: {  	_ =	shalt  }
0x77: {  	_ =	shalt  }
0x78: {  	_ =	shalt  }
0x79: {  	_ =	shalt  }
0x7a: {  	_ =	shalt  }
0x7b: {  	_ =	shalt  }
0x7c: {  	_ =	shalt  }
0x7d: {  	_ =	shalt  }
0x7e: {  	_ =	shalt  }
0x7f: {  	_ =	shalt  }
0x80: {  	_ =	shalt  }
0x81: {  	_ =	shalt  }
0x82: {  	_ =	shalt  }
0x83: {  	_ =	shalt  }
0x84: {  	_ =	shalt  }
0x85: {  	_ =	shalt  }
0x86: {  	_ =	shalt  }
0x87: {  	_ =	shalt  }
.Lfunc_end0:
.L_simem_size_0:
called_computation_lowered:
.L_overlay_start_0:
0x88: {  	s2 =	sld [smem:$0x3FD9]  }
0x89: {  	s3 =	sld [smem:$0x3FFE];
	_ =	sdelay $0x1  }
0x8a: {  	s1 =	srdreg.scid  }
0x8b: {  	s0 =	sand.u32 $0x1, s1  }
0x8c: {  	s17 =	sshll.u32 s0, $0xA;
	s2 =	sadd.s32 s3, s2  }
0x8d: {  	s2 =	sadd.s32 s2, s17  }
0x8e: {  	[smem:$0x3FC4] =	sst s2  }
0x8f: {  	_ = 	snop  }
0x90: {  	s2 =	sld [smem:$0x3FC8]  }
0x91: {  	s18 =	sld [smem:$0x3FD0];
	(tm) =	ssettm $0x1  }
0x92: {  	s4 =	sld [smem:$0x3FFB];
	_ =	sdelay $0x3  }
0x93: {  	_ =	strace s4  }
0x94: {  	s4 =	sld [smem:$0x3FFC];
	_ =	sdelay $0x3  }
0x95: {  	_ =	strace s4  }
0x96: {  	s4 =	sld [smem:$0x3FFD];
	_ =	sdelay $0x3  }
0x97: {  	_ =	strace s4  }
0x98: {  	_ =	strace $0x8FFFFFFF  }
0x99: {  	s19 =	sld [smem:$0x3FDB];
	_ =	sdelay $0x1  }
0x9a: {  	s5 =	simm.s32 $_scs_section_size  }
0x9b: {  	s6 =	simm.s32 $_size__tile_overlayer_lowered;
	s7 =	simm.s32 $_tile_overlayer_lowered  }
0x9c: {  	s22 =	simm.s32 $0x1BFF;
	s21 =	sshll.u32 s7, $0x1;
	s4 =	sadd.s32 s5, s19  }
0x9d: {  	s8 =	simm.s32 $0x0;
	s20 =	sshll.u32 s6, $0x1;
	s6 =	sadd.s32 s21, s4  }
0x9e: {  	[timem:s8], [sflag:s22] =	dma.local [hbm:s6], s20  }
0x9f: {  	_ =	swait.ge [sflag:s22], s20  }
0xa0: {  	s5 =	ssub.s32 $0x0, s20;
	[sflag:s22] =	ssyncset.done $0x0  }
0xa1: {  	[sflag:s22] =	ssyncadd.s32 s5;
	_ =	sdelay $0x1  }
0xa2: {  	s23 =	simm.s32 $0x1B8B  }
0xa3: {  	_ =	swait.ge [sflag:s23], $0x1  }
0xa4: {  	[sflag:s23] =	ssyncset.done $0x0  }
0xa5: {  	s25 =	simm.s32 $0x1B8E;
	s24 =	sld [smem:$0x3FFE];
	[sflag:s23] =	ssyncadd.s32 $0xFFFFFFFF  }
0xa6: {  	s26 =	simm.s32 $execute0_lowered;
	[smem:$0x3FD2] =	sst s25  }
0xa7: {  	s6 =	sshll.u32 s26, $0x1;
	_ =	strace $0x80000046;
	[dreg:$0x1] =	wrdreg $0xFFFFFFFF  }
0xa8: {  	s28 =	simm.s32 $_size_execute0_lowered;
	s4 =	sadd.s32 s4, s6;
	[dreg:$0x0] =	wrdreg $0x0  }
0xa9: {  	s6 =	sshll.u32 s28, $0x1;
	[dreg:$0x2] =	wrdreg s4  }
0xaa: {  	[dreg:$0x3] =	wrdreg s6  }
0xab: {  	[dreg:$0x4] =	wrdreg $0xC0  }
0xac: {  	_ =	task [dreg:s8], $0x5FFFF  }
0xad: {  	[dreg:$0x1] =	wrdreg $0xFFFFFFFF  }
0xae: {  	[dreg:$0x0] =	wrdreg $0x60  }
0xaf: {  	[dreg:$0x2] =	wrdreg s2  }
0xb0: {  	[dreg:$0x3] =	wrdreg s18  }
0xb1: {  	[dreg:$0x4] =	wrdreg s24  }
0xb2: {  	[dreg:$0x5] =	wrdreg $0x9  }
0xb3: {  	_ =	task.clear_ibuf [dreg:s8], $0x6FFFF;
	_ =	strace $0x90000046  }
0xb4: {  	s29 =	simm.s32 $0x9;
	_ =	strace $0x80000048  }
0xb5: {  	_ =	swait.ge [sflag:s29], $0x1  }
0xb6: {  	[sflag:s29] =	ssyncadd.s32 $0xFFFFFFFF  }
0xb7: {  	_ =	strace $0x90000048  }
0xb8: {  	_ =	sfence  }
0xb9: {  	s30 =	sld [smem:$0x0];
	_ =	sdelay $0x2  }
0xba: {  	s31 =	sshll.u32 s1, $0xD;
	s1 =	sshrl.u32 s1, $0x2  }
0xbb: {  	s3 =	sand.u32 $0x4000, s31;
	s1 =	sadd.s32 s1, s30  }
0xbc: {  	s0 =	sor.u32 s3, s0;
	s1 =	sshll.u32 s1, $0x11  }
0xbd: {  	s0 =	sor.u32 s1, s0  }
0xbe: {  	s0 =	sadd.s32 $0x8F2B, s0  }
0xbf: {  	[sflag:s0] =	ssyncadd.remote.s32 $0x1  }
0xc0: {  	_ =	sfence.sel $0xFFFF  }
0xc1: {  	[dreg:$0x0] =	wrdreg $0xFFFFFFFF;
	(pc) =	sbr.abs _section_cstart, $3  }
0xc2: {  	[dreg:$0x1] =	wrdreg $0xFFFFFFFF  }
0xc3: {  	_ =	task.clear_ibuf [dreg:s8], $0x2FFFF;
	_ =	strace $0x9FFFFFFF  }
0xc4: {  	(tm) =	ssettm $0x7FFFFFFF  }
0xc5: {  	_ =	shalt  }
tec
execute0_lowered:
.L_overlay_start_1:
0x0: {  	(tag) =	ssettag $0x1  }
0x1: {  	s0 =	rddreg [dreg:$0x0]  }
0x2: {  	s2 =	rddreg [dreg:$0x2];
	s1 =	simm.s32 $0x0;
	s25 =	stileid.u32  }
0x3: {  	s4 =	srdreg.scid;
	s14 =	simm.s32 $0x7A1400;
	s15 =	simm.s32 $0x2000  }
0x4: {  	s16 =	simm.s32 $0x4000;
	s17 =	simm.s32 $0x6000;
	s19 =	simm.s32 $0x6  }
0x5: {  	s20 =	simm.s32 $0x7;
	s21 =	simm.s32 $0x8;
	s22 =	simm.s32 $0x0  }
0x6: {  	[smem:$0x7FF] =	sst s1;
	s5 =	sshll.u32 s25, $0xC;
	s10 =	sand.u32 $0x1, s4  }
0x7: {  	s26 =	sshll.u32 s25, $0x1;
	s9 =	sadd.s32 $0xF42E00, s2;
	s13 =	sshll.u32 s25, $0x8  }
0x8: {  	_ =	strace $0x80000047;
	s11 =	sadd.s32 s5, s2;
	s28 =	ssub.s32 $0x2, s10  }
0x9: {  	s18 =	sor.u32 s10, s26;
	s30 =	sshll.u32 s10, $0xB;
	s31 =	sshll.u32 s10, $0x7  }
0xa: {  	s29 =	sshrl.u32 s28, $0x1;
	s6 =	ssub.s32 $0x1EA3, s18;
	s7 =	sshll.u32 s18, $0x7  }
0xb: {  	s2 =	sadd.s32 s30, s11;
	p0 =	sne.s32 s18, $0x0;
	s18 =	simm.s32 $0x5  }
0xc: {  	s12 =	ssub.s32 s28, s29;
	s5 =	sadd.s32 s0, s7;
	s0 =	sadd.s32 s13, s0  }
0xd: {  	s4 =	sshrl.u32 s6, $0x5;
	s11 =	sadd.s32 $0xE00, s2;
	s0 =	sadd.s32 s31, s0  }
0xe: {  	s10 =	smax.u32 s12, $0x1;
	s12 =	sadd.s32 $0x4000, s0;
	s0 =	simm.s32 @!p0 $0x0  }
0xf: {  	s13 =	simm.s32 $0x400;
	s6 =	sadd.s32 $0x1000, s5;
	s0 =	simm.s32 @p0 $0x1  }
0x10: {  	s7 =	sadd.s32 $0x2000, s5;
	s8 =	sadd.s32 $0x3000, s5;
	[smem:$0x7FD] =	sst s0  }
.LBB2_1:
0x11: {  	s0 =	simm.s32 $0x0  }
0x12: {  	[tilespmem:s0], [sflag:$0x1] =	stream.strided.gather [hbm4b:s5+s13], $0x2000, s14, s13, $0x38;
	[tilespmem:$0x1A000] =	vst v63  }
0x13: {  	_ = 	snop  }
0x14: {  	[tilespmem:s15], [sflag:$0x2] =	stream.strided.gather [hbm4b:s6+s13], $0x2000, s14, s13, $0x38;
	[tilespmem:$0x1A000] =	vst v63  }
0x15: {  	p1 =	sle.u32 s4, $0x0  }
0x16: {  	[tilespmem:s16], [sflag:$0x3] =	stream.strided.gather [hbm4b:s7+s13], $0x2000, s14, s13, $0x38;
	[tilespmem:$0x1A000] =	vst v63  }
0x17: {  	s0 =	simm.s32 @!p1 $0x1  }
0x18: {  	[tilespmem:s17], [sflag:$0x4] =	stream.strided.gather [hbm4b:s8+s13], $0x2000, s14, s13, $0x38;
	[tilespmem:$0x1A000] =	vst v63  }
0x19: {  	p2 =	por @!p1 $0x1, $0x1;
	_ =	swait.ge @!p1 [sflag:s0], $0x2000  }
0x1a: {  	p2 =	por p2, p1;
	[sflag:s0] =	ssyncset.done @!p1 $0x0  }
0x1b: {  	s2 =	simm.s32 @!p2 $0x5;
	[sflag:s0] =	ssyncadd.s32 @!p1 $0xFFFFE000  }
0x1c: {  	p3 =	sle.u32 @!p1 s4, $0x4;
	_ =	swait.ge @!p2 [sflag:s2], $0x4000  }
0x1d: {  	p3 =	por p3, p1;
	[sflag:s2] =	ssyncset.done @!p2 $0x0  }
0x1e: {  	s0 =	simm.s32 @!p1 $0x8000;
	[sflag:s2] =	ssyncadd.s32 @!p2 $0xFFFFC000;
	s2 =	simm.s32 @!p1 $0x0  }
0x1f: {  	[hbm4b:s11+s2] =	stream.linear.scatter @!p1 [tilespmem:s0], [sflag:$0x5], $0x4000, $0x38;
	[tilespmem:$0x1A000] =	vst v63  }
0x20: {  	s24 =	simm.s32 @!p3 $0x0;
	p2 =	sle.u32 s4, $0x1;
	s0 =	simm.s32 @!p3 $0x400  }
0x21: {  	s2 =	simm.s32 @!p3 $0x7A1400;
	s25 =	simm.s32 @!p2 $0x2;
	p1 =	por @!p2 $0x1, $0x1  }
0x22: {  	[tilespmem:s24], [sflag:$0x1] =	stream.strided.gather @!p3 [hbm4b:s12+s0], $0x2000, s2, s0, $0x38;
	[tilespmem:$0x1A000] =	vst v63  }
0x23: {  	s23 =	simm.s32 $0x4;
	p4 =	por p1, p2;
	_ =	swait.ge @!p2 [sflag:s25], $0x2000  }
0x24: {  	p1 =	sle.u32 @!p2 s4, $0x5;
	s0 =	simm.s32 @!p2 $0xC000;
	[sflag:s25] =	ssyncset.done @!p2 $0x0  }
0x25: {  	s2 =	simm.s32 @!p4 $0x6;
	p3 =	por p1, p2;
	[sflag:s25] =	ssyncadd.s32 @!p2 $0xFFFFE000  }
0x26: {  	s24 =	sadd.s32 @!p2 $0x10000, s11;
	p1 =	sle.u32 s4, $0x2;
	_ =	swait.ge @!p4 [sflag:s2], $0x4000  }
0x27: {  	s26 =	simm.s32 @!p3 $0x2000;
	s28 =	simm.s32 @!p1 $0x3;
	[sflag:s2] =	ssyncset.done @!p4 $0x0  }
0x28: {  	p5 =	por @!p1 $0x1, $0x1;
	s25 =	simm.s32 @!p2 $0x0;
	[sflag:s2] =	ssyncadd.s32 @!p4 $0xFFFFC000  }
0x29: {  	[hbm4b:s24+s25] =	stream.linear.scatter @!p2 [tilespmem:s0], [sflag:$0x6], $0x4000, $0x38;
	[tilespmem:$0x1A000] =	vst v63  }
0x2a: {  	s2 =	sadd.s32 @!p3 $0x1000, s12;
	s0 =	simm.s32 @!p3 $0x7A1400;
	s24 =	simm.s32 @!p3 $0x400  }
0x2b: {  	[tilespmem:s26], [sflag:$0x2] =	stream.strided.gather @!p3 [hbm4b:s2+s24], $0x2000, s0, s24, $0x38;
	[tilespmem:$0x1A000] =	vst v63  }
0x2c: {  	p4 =	sle.u32 @!p1 s4, $0x6;
	p2 =	sle.u32 s4, $0x3;
	_ =	swait.ge @!p1 [sflag:s28], $0x2000  }
0x2d: {  	s25 =	simm.s32 @!p1 $0x0;
	p3 =	por p5, p1;
	[sflag:s28] =	ssyncset.done @!p1 $0x0  }
0x2e: {  	p4 =	por p4, p1;
	s2 =	simm.s32 @!p3 $0x7;
	[sflag:s28] =	ssyncadd.s32 @!p1 $0xFFFFE000  }
0x2f: {  	s29 =	simm.s32 @!p4 $0x400;
	s30 =	simm.s32 @!p2 $0x0;
	_ =	swait.ge @!p3 [sflag:s2], $0x4000  }
0x30: {  	s0 =	sadd.s32 @!p1 $0x20000, s11;
	s24 =	simm.s32 @!p1 $0x10000;
	[sflag:s2] =	ssyncset.done @!p3 $0x0  }
0x31: {  	s26 =	sadd.s32 @!p4 $0x2000, s12;
	s28 =	simm.s32 @!p4 $0x4000;
	[sflag:s2] =	ssyncadd.s32 @!p3 $0xFFFFC000  }
0x32: {  	[hbm4b:s0+s25] =	stream.linear.scatter @!p1 [tilespmem:s24], [sflag:$0x7], $0x4000, $0x38;
	[tilespmem:$0x1A000] =	vst v63  }
0x33: {  	p3 =	por @!p2 $0x1, $0x1;
	s2 =	simm.s32 @!p2 $0x4;
	s0 =	simm.s32 @!p4 $0x7A1400  }
0x34: {  	[tilespmem:s28], [sflag:$0x3] =	stream.strided.gather @!p4 [hbm4b:s26+s29], $0x2000, s0, s29, $0x38;
	[tilespmem:$0x1A000] =	vst v63  }
0x35: {  	p1 =	por p3, p2;
	p3 =	sle.u32 @!p2 s4, $0x7;
	_ =	swait.ge @!p2 [sflag:s2], $0x2000  }
0x36: {  	s25 =	sadd.s32 $0x4000, s12;
	s24 =	simm.s32 @!p1 $0x8;
	[sflag:s2] =	ssyncset.done @!p2 $0x0  }
0x37: {  	p3 =	por p3, p2;
	s26 =	simm.s32 @!p2 $0x14000;
	[sflag:s2] =	ssyncadd.s32 @!p2 $0xFFFFE000  }
0x38: {  	s28 =	sadd.s32 @!p2 $0x30000, s11;
	s29 =	simm.s32 @!p3 $0x7A1400;
	_ =	swait.ge @!p1 [sflag:s24], $0x4000  }
0x39: {  	s31 =	simm.s32 @!p3 $0x6000;
	s0 =	sadd.s32 @!p3 $0x3000, s12;
	[sflag:s24] =	ssyncset.done @!p1 $0x0  }
0x3a: {  	s2 =	simm.s32 @!p3 $0x400;
	[sflag:s24] =	ssyncadd.s32 @!p1 $0xFFFFC000;
	s24 =	sadd.s32 $0x40000, s11  }
.LBB2_2:
0x3b: {  	[hbm4b:s28+s30] =	stream.linear.scatter @!p2 [tilespmem:s26], [sflag:$0x8], $0x4000, $0x38;
	[tilespmem:$0x1A000] =	vst v63  }
0x3c: {  	p4 =	sge.u32 s23, s4;
	s26 =	smov.u32 s23;
	s23 =	sadd.s32 $0x4, s23  }
0x3d: {  	[tilespmem:s31], [sflag:$0x4] =	stream.strided.gather @!p3 [hbm4b:s0+s2], $0x2000, s29, s2, $0x38;
	[tilespmem:$0x1A000] =	vst v63  }
0x3e: {  	p1 =	seq.s32 @!p4 s26, $0x0;
	s0 =	simm.s32 @!p4 $0x1;
	s2 =	sadd.s32 @!p4 $0x4, s26  }
0x3f: {  	p2 =	por p1, p4;
	p1 =	sge.u32 @!p4 s2, s4;
	_ =	swait.ge @!p4 [sflag:s0], $0x2000  }
0x40: {  	s2 =	simm.s32 @!p2 $0x5;
	p3 =	por p1, p4;
	[sflag:s0] =	ssyncset.done @!p4 $0x0  }
0x41: {  	p1 =	sne.s32 s23, $0xF8;
	[sflag:s0] =	ssyncadd.s32 @!p4 $0xFFFFE000  }
0x42: {  	s0 =	simm.s32 @!p4 $0x8000;
	_ =	swait.ge @!p2 [sflag:s2], $0x4000  }
0x43: {  	s29 =	sadd.s32 $0x1, s26;
	s28 =	simm.s32 @!p3 $0x0;
	[sflag:s2] =	ssyncset.done @!p2 $0x0  }
0x44: {  	[sflag:s2] =	ssyncadd.s32 @!p2 $0xFFFFC000;
	s2 =	simm.s32 @!p4 $0x0;
	p2 =	sge.u32 s29, s4  }
0x45: {  	s30 =	simm.s32 @!p3 $0x7A1400;
	s29 =	simm.s32 @!p3 $0x400;
	s31 =	simm.s32 @!p2 $0xC000  }
0x46: {  	[hbm4b:s24+s2] =	stream.linear.scatter @!p4 [tilespmem:s0], [sflag:$0x5], $0x4000, $0x38;
	[tilespmem:$0x1A000] =	vst v63  }
0x47: {  	s0 =	simm.s32 @!p2 $0x2;
	p4 =	seq.s32 @!p2 s26, $0x0;
	s2 =	sadd.s32 @!p2 $0x5, s26  }
0x48: {  	[tilespmem:s28], [sflag:$0x1] =	stream.strided.gather @!p3 [hbm4b:s25+s29], $0x2000, s30, s29, $0x38;
	[tilespmem:$0x1A000] =	vst v63  }
0x49: {  	p5 =	por p4, p2;
	p3 =	sge.u32 @!p2 s2, s4;
	_ =	swait.ge @!p2 [sflag:s0], $0x2000  }
0x4a: {  	s2 =	simm.s32 @!p5 $0x6;
	p4 =	por p3, p2;
	[sflag:s0] =	ssyncset.done @!p2 $0x0  }
0x4b: {  	s28 =	sadd.s32 $0x2, s26;
	[sflag:s0] =	ssyncadd.s32 @!p2 $0xFFFFE000;
	s0 =	sadd.s32 @!p2 $0x10000, s24  }
0x4c: {  	s29 =	simm.s32 @!p2 $0x0;
	p3 =	sge.u32 s28, s4;
	_ =	swait.ge @!p5 [sflag:s2], $0x4000  }
0x4d: {  	s28 =	simm.s32 @!p4 $0x2000;
	s30 =	simm.s32 @!p3 $0x3;
	s1 =	sadd.s32 @!p3 $0x6, s26  }
0x4e: {  	p0 =	seq.s32 @!p3 s26, $0x0;
	s3 =	sadd.s32 @!p3 $0x20000, s24;
	[sflag:s2] =	ssyncset.done @!p5 $0x0  }
0x4f: {  	p6 =	sge.u32 @!p3 s1, s4;
	[sflag:s2] =	ssyncadd.s32 @!p5 $0xFFFFC000;
	s2 =	simm.s32 @!p4 $0x7A1400  }
0x50: {  	[hbm4b:s0+s29] =	stream.linear.scatter @!p2 [tilespmem:s31], [sflag:$0x6], $0x4000, $0x38;
	[tilespmem:$0x1A000] =	vst v63  }
0x51: {  	s1 =	simm.s32 @!p4 $0x400;
	p5 =	por p0, p3;
	s0 =	sadd.s32 @!p4 $0x1000, s25  }
0x52: {  	[tilespmem:s28], [sflag:$0x2] =	stream.strided.gather @!p4 [hbm4b:s0+s1], $0x2000, s2, s1, $0x38;
	[tilespmem:$0x1A000] =	vst v63  }
0x53: {  	s0 =	simm.s32 @!p5 $0x7;
	s1 =	sadd.s32 $0x3, s26;
	_ =	swait.ge @!p3 [sflag:s30], $0x2000  }
0x54: {  	s2 =	simm.s32 @!p3 $0x10000;
	p2 =	sge.u32 s1, s4;
	[sflag:s30] =	ssyncset.done @!p3 $0x0  }
0x55: {  	p6 =	por p6, p3;
	s1 =	simm.s32 @!p3 $0x0;
	[sflag:s30] =	ssyncadd.s32 @!p3 $0xFFFFE000  }
0x56: {  	s29 =	simm.s32 @!p6 $0x4000;
	s28 =	sadd.s32 @!p6 $0x2000, s25;
	_ =	swait.ge @!p5 [sflag:s0], $0x4000  }
0x57: {  	s31 =	simm.s32 @!p6 $0x7A1400;
	s30 =	simm.s32 @!p6 $0x400;
	[sflag:s0] =	ssyncset.done @!p5 $0x0  }
0x58: {  	p0 =	seq.s32 @!p2 s26, $0x0;
	[sflag:s0] =	ssyncadd.s32 @!p5 $0xFFFFC000;
	s0 =	sadd.s32 @!p2 $0x7, s26  }
0x59: {  	[hbm4b:s3+s1] =	stream.linear.scatter @!p3 [tilespmem:s2], [sflag:$0x7], $0x4000, $0x38;
	[tilespmem:$0x1A000] =	vst v63  }
0x5a: {  	p4 =	por p0, p2;
	s1 =	simm.s32 @!p2 $0x4;
	p0 =	sge.u32 @!p2 s0, s4  }
0x5b: {  	[tilespmem:s29], [sflag:$0x3] =	stream.strided.gather @!p6 [hbm4b:s28+s30], $0x2000, s31, s30, $0x38;
	[tilespmem:$0x1A000] =	vst v63  }
0x5c: {  	s3 =	simm.s32 @!p4 $0x8;
	p3 =	por p0, p2;
	_ =	swait.ge @!p2 [sflag:s1], $0x2000  }
.Ltmp0:
0x5d: {  	s26 =	simm.s32 @!p2 $0x14000;
	[sflag:s1] =	ssyncset.done @!p2 $0x0;
	(pc) =	sbr.rel @p1 .LBB2_2-.Ltmp0, $4  }
0x5e: {  	s28 =	sadd.s32 @!p2 $0x30000, s24;
	s30 =	simm.s32 @!p2 $0x0;
	[sflag:s1] =	ssyncadd.s32 @!p2 $0xFFFFE000  }
0x5f: {  	s29 =	simm.s32 @!p3 $0x7A1400;
	s31 =	simm.s32 @!p3 $0x6000;
	_ =	swait.ge @!p4 [sflag:s3], $0x4000  }
0x60: {  	s0 =	sadd.s32 @!p3 $0x3000, s25;
	s2 =	simm.s32 @!p3 $0x400;
	[sflag:s3] =	ssyncset.done @!p4 $0x0  }
0x61: {  	s24 =	sadd.s32 $0x40000, s24;
	s25 =	sadd.s32 $0x4000, s25;
	[sflag:s3] =	ssyncadd.s32 @!p4 $0xFFFFC000  }
0x62: {  	[hbm4b:s28+s30] =	stream.linear.scatter @!p2 [tilespmem:s26], [sflag:$0x8], $0x4000, $0x38;
	[tilespmem:$0x1A000] =	vst v63  }
0x63: {  	_ = 	snop  }
0x64: {  	[tilespmem:s31], [sflag:$0x4] =	stream.strided.gather @!p3 [hbm4b:s0+s2], $0x2000, s29, s2, $0x38;
	[tilespmem:$0x1A000] =	vst v63  }
0x65: {  	_ =	swait.ge [sflag:s18], $0x4000  }
0x66: {  	[sflag:s18] =	ssyncset.done $0x0  }
0x67: {  	[sflag:s18] =	ssyncadd.s32 $0xFFFFC000  }
0x68: {  	_ =	swait.ge [sflag:s19], $0x4000  }
0x69: {  	[sflag:s19] =	ssyncset.done $0x0  }
0x6a: {  	[sflag:s19] =	ssyncadd.s32 $0xFFFFC000  }
0x6b: {  	_ =	swait.ge [sflag:s20], $0x4000  }
0x6c: {  	[sflag:s20] =	ssyncset.done $0x0  }
0x6d: {  	[sflag:s20] =	ssyncadd.s32 $0xFFFFC000  }
0x6e: {  	_ =	swait.ge [sflag:s21], $0x4000  }
0x6f: {  	s31 =	sld [smem:$0x7FD];
	_ =	sdelay $0x1  }
0x70: {  	[sflag:s21] =	ssyncset.done $0x0  }
0x71: {  	[sflag:s21] =	ssyncadd.s32 $0xFFFFC000;
	p1 =	seq.s32 s31, $0x1  }
0x72: {  	s2 =	rddreg [dreg:$0x1];
	s0 =	simm.s32 @!p1 $0x0;
	s1 =	simm.s32 @!p1 $0x18000  }
0x73: {  	[tilespmem:s1], [sflag:$0x9] =	stream.linear.gather @!p1 [hbm4b:s2+s0], $0x2000, $0x38;
	[tilespmem:$0x1A000] =	vst v63  }
0x74: {  	s1 =	simm.s32 @!p1 $0x9  }
0x75: {  	s22 =	sadd.s32 $0x1, s22;
	_ =	swait.ge @!p1 [sflag:s1], $0x2000  }
0x76: {  	p0 =	sne.s32 s22, s10;
	[sflag:s1] =	ssyncset.done @!p1 $0x0  }
.Ltmp1:
0x77: {  	s2 =	simm.s32 @!p1 $0x8000;
	[sflag:s1] =	ssyncadd.s32 @!p1 $0xFFFFE000;
	(pc) =	sbr.rel @p0 .LBB2_1-.Ltmp1, $4  }
0x78: {  	[hbm4b:s9+s0] =	stream.linear.scatter @!p1 [tilespmem:s2], [sflag:$0x9], $0x4000, $0x38;
	[tilespmem:$0x1A000] =	vst v63  }
0x79: {  	_ =	swait.ge @!p1 [sflag:s1], $0x4000  }
0x7a: {  	[sflag:s1] =	ssyncset.done @!p1 $0x0  }
0x7b: {  	[sflag:s1] =	ssyncadd.s32 @!p1 $0xFFFFC000  }
0x7c: {  	_ =	sfence.sel $0x180000  }
0x7d: {  	[bflag:$0x0] =	sbarrier.arrive $0xFFFF  }
0x7e: {  	_ =	strace $0x90000047  }
0x7f: {  	s0 =	stileid.u32;
	[bflag:$0x2] =	sbarrier.arrive $0xFFFF  }
0x80: {  	p0 =	sne.s32 s0, $0x0;
	s0 =	rddreg [dreg:$0x3]  }
0x81: {  	s0 =	sadd.s32 @!p0 $0x100000, s0  }
0x82: {  	[sflag:s0] =	ssyncadd.tile.s32 @!p0 $0x1;
	_ =	shalt  }
.Lfunc_end2:
_tile_overlayer_lowered:
.L_overlay_start_2:
0x83: {  	(tag) =	ssettag $0x2  }
0x84: {  	s0 =	rddreg [dreg:$0x0];
	s2 =	stileid.u32  }
0x85: {  	s1 =	rddreg [dreg:$0x1];
	p0 =	sne.s32 s2, $0x0  }
0x86: {  	s3 =	rddreg [dreg:$0x2];
	[bflag:$0x3] =	sbarrier.arrive $0xFFFF;
	s2 =	simm.s32 @!p0 $0x1C09  }
0x87: {  	[timem:s3], [sflag:s2] =	dma.local @!p0 [hbm:s0], s1  }
0x88: {  	s0 =	simm.s32 @!p0 $0x9  }
0x89: {  	_ =	swait.ge @!p0 [sflag:s0], s1  }
0x8a: {  	s1 =	ssub.s32 @!p0 $0x0, s1;
	[sflag:s0] =	ssyncset.done @!p0 $0x0  }
0x8b: {  	[sflag:s0] =	ssyncadd.s32 @!p0 s1  }
0x8c: {  	[bflag:$0x3] =	sbarrier.arrive $0xFFFF  }
0x8d: {  	_ =	shalt  }

// kernel: kernel.8.cloned.1.call-start
scs
__scs_entry_jumppad:
0x0: {  	(pc) =	sbr.rel $0x88, $3  }
0x1: {  	(tag) =	ssettag $0x0;
	lr =	simm.s32 $0x1  }
0x2: {  	[smem:$0x3F9D] =	sst lr;
	_ =	strace $0xD0000000  }
0x3: {  	_ = 	snop  }
0x4: {  	_ = 	snop  }
0x5: {  	_ = 	snop  }
0x6: {  	_ = 	snop  }
0x7: {  	_ = 	snop  }
__scs_overlays_trampoline_lowered:
0x8: {  	[smem:$0x3FAC] =	sst s0  }
0x9: {  	[smem:$0x3FAD] =	sst s1  }
0xa: {  	[smem:$0x3FAE] =	sst s2  }
0xb: {  	[smem:$0x3FAF] =	sst s3  }
0xc: {  	[smem:$0x3FB0] =	sst s4  }
0xd: {  	[smem:$0x3FB1] =	sst s5  }
0xe: {  	[smem:$0x3FB2] =	sst s6  }
0xf: {  	[smem:$0x3FB3] =	sst s7  }
0x10: {  	[smem:$0x3FB4] =	sst s8  }
0x11: {  	[smem:$0x3FB5] =	sst s9;
	s0 =	simm.s32 @!p0 $0x0  }
0x12: {  	s1 =	sld [smem:$0x3F9B];
	s0 =	simm.s32 @p0 $0x1  }
0x13: {  	[smem:$0x3FB6] =	sst s0;
	s0 =	simm.s32 @!p1 $0x0  }
0x14: {  	s2 =	sld [smem:$0x3F9A];
	s0 =	simm.s32 @p1 $0x1  }
0x15: {  	[smem:$0x3FB7] =	sst s0;
	s0 =	simm.s32 @!p2 $0x0  }
0x16: {  	s3 =	sld [smem:$0x3FDB];
	s0 =	simm.s32 @p2 $0x1  }
0x17: {  	s4 =	simm.s32 $0x1BF5;
	[smem:$0x3FB9] =	sst s0  }
0x18: {  	s0 =	sld [smem:$0x3F9C];
	_ =	swait.ge [sflag:s4], $0x0  }
0x19: {  	s7 =	sld [smem:$0x3F9D]  }
0x1a: {  	s8 =	sadd.s32 $0xFFFFE003, lr  }
0x1b: {  	s9 =	sadd.s32 $0xFFFFFEF7, lr;
	s5 =	simm.s32 $0xFFFFFFFF;
	p2 =	slt.u32 s8, $0xFFFFF086  }
0x1c: {  	p1 =	slt.u32 s9, $0xF7A;
	s5 =	simm.s32 @!p2 $0x0  }
0x1d: {  	s5 =	simm.s32 @p1 $0x1;
	p0 =	seq.s32 s7, s2  }
0x1e: {  	s7 =	smul.u32 @!p0 $0xF7A, s2;
	p2 =	seq.s32 @!p0 s5, $0x0  }
0x1f: {  	s9 =	smul.u32 $0xF7A, s1;
	s8 =	simm.s32 @!p0 $0x1BF5;
	p2 =	por !p2, p0  }
0x20: {  	[sflag:s8] =	ssyncset.s32 @!p0 $0xFFFFF086;
	s6 =	sadd.s32 @!p0 s3, s7;
	s7 =	simm.s32 @!p0 $0x108  }
0x21: {  	s3 =	sadd.s32 s3, s9;
	s6 =	sadd.s32 @!p0 $0x88, s6;
	s7 =	simm.s32 @p2 $0x1082  }
0x22: {  	[simem:s7], [sflag:s8] =	dma.local @!p0 [hbm:s6], $0xF7A  }
0x23: {  	s9 =	sor.u32 $0xD0000000, s2;
	s6 =	simm.s32 $0x108;
	_ =	swait.ge @!p0 [sflag:s8], $0x0  }
0x24: {  	s3 =	sadd.s32 $0x88, s3;
	s6 =	simm.s32 @!p1 $0x1082;
	[sflag:s4] =	ssyncset.s32 $0xFFFFF086  }
0x25: {  	[simem:s6], [sflag:s4] =	dma.local [hbm:s3], $0xF7A  }
0x26: {  	[smem:$0x3F9D] =	sst s1;
	(tag) =	ssettag s2;
	_ =	strace s9  }
0x27: {  	s1 =	sld [smem:$0x3FAD]  }
0x28: {  	s2 =	sld [smem:$0x3FAE]  }
0x29: {  	s4 =	sld [smem:$0x3FB0]  }
0x2a: {  	p0 =	seq.s32 s5, $0x0;
	s5 =	sld [smem:$0x3FB1]  }
0x2b: {  	s6 =	sld [smem:$0x3FB2]  }
0x2c: {  	s7 =	sld [smem:$0x3FB3]  }
0x2d: {  	s3 =	simm.s32 $0x108;
	s8 =	sld [smem:$0x3FB4]  }
0x2e: {  	s3 =	simm.s32 @!p0 $0x1082;
	s9 =	sld [smem:$0x3FB5]  }
0x2f: {  	lr =	sadd.s32 s0, s3;
	s0 =	sld [smem:$0x3FAC]  }
0x30: {  	s3 =	sld [smem:$0x3FAF]  }
0x31: {  	[smem:$0x3FB8] =	sst s10  }
0x32: {  	s10 =	sld [smem:$0x3FB6];
	_ =	sdelay $0x3  }
0x33: {  	p0 =	seq.s32 s10, $0x1;
	s10 =	sld [smem:$0x3FB8];
	_ =	sdelay $0x3  }
0x34: {  	[smem:$0x3FB8] =	sst s10  }
0x35: {  	s10 =	sld [smem:$0x3FB7];
	_ =	sdelay $0x3  }
0x36: {  	p1 =	seq.s32 s10, $0x1;
	s10 =	sld [smem:$0x3FB8];
	_ =	sdelay $0x3  }
0x37: {  	[smem:$0x3FB8] =	sst s10  }
0x38: {  	s10 =	sld [smem:$0x3FB9]  }
0x39: {  	_ = 	snop;
	(pc) =	sbr.ind lr, $3  }
0x3a: {  	_ = 	snop  }
0x3b: {  	_ = 	snop  }
0x3c: {  	p2 =	seq.s32 s10, $0x1;
	s10 =	sld [smem:$0x3FB8]  }
0x3d: {  	_ =	shalt  }
0x3e: {  	_ =	shalt  }
0x3f: {  	_ =	shalt  }
0x40: {  	_ =	shalt  }
0x41: {  	_ =	shalt  }
0x42: {  	_ =	shalt  }
0x43: {  	_ =	shalt  }
0x44: {  	_ =	shalt  }
0x45: {  	_ =	shalt  }
0x46: {  	_ =	shalt  }
0x47: {  	_ =	shalt  }
0x48: {  	_ =	shalt  }
0x49: {  	_ =	shalt  }
0x4a: {  	_ =	shalt  }
0x4b: {  	_ =	shalt  }
0x4c: {  	_ =	shalt  }
0x4d: {  	_ =	shalt  }
0x4e: {  	_ =	shalt  }
0x4f: {  	_ =	shalt  }
0x50: {  	_ =	shalt  }
0x51: {  	_ =	shalt  }
0x52: {  	_ =	shalt  }
0x53: {  	_ =	shalt  }
0x54: {  	_ =	shalt  }
0x55: {  	_ =	shalt  }
0x56: {  	_ =	shalt  }
0x57: {  	_ =	shalt  }
0x58: {  	_ =	shalt  }
0x59: {  	_ =	shalt  }
0x5a: {  	_ =	shalt  }
0x5b: {  	_ =	shalt  }
0x5c: {  	_ =	shalt  }
0x5d: {  	_ =	shalt  }
0x5e: {  	_ =	shalt  }
0x5f: {  	_ =	shalt  }
0x60: {  	_ =	shalt  }
0x61: {  	_ =	shalt  }
0x62: {  	_ =	shalt  }
0x63: {  	_ =	shalt  }
0x64: {  	_ =	shalt  }
0x65: {  	_ =	shalt  }
0x66: {  	_ =	shalt  }
0x67: {  	_ =	shalt  }
0x68: {  	_ =	shalt  }
0x69: {  	_ =	shalt  }
0x6a: {  	_ =	shalt  }
0x6b: {  	_ =	shalt  }
0x6c: {  	_ =	shalt  }
0x6d: {  	_ =	shalt  }
0x6e: {  	_ =	shalt  }
0x6f: {  	_ =	shalt  }
0x70: {  	_ =	shalt  }
0x71: {  	_ =	shalt  }
0x72: {  	_ =	shalt  }
0x73: {  	_ =	shalt  }
0x74: {  	_ =	shalt  }
0x75: {  	_ =	shalt  }
0x76: {  	_ =	shalt  }
0x77: {  	_ =	shalt  }
0x78: {  	_ =	shalt  }
0x79: {  	_ =	shalt  }
0x7a: {  	_ =	shalt  }
0x7b: {  	_ =	shalt  }
0x7c: {  	_ =	shalt  }
0x7d: {  	_ =	shalt  }
0x7e: {  	_ =	shalt  }
0x7f: {  	_ =	shalt  }
0x80: {  	_ =	shalt  }
0x81: {  	_ =	shalt  }
0x82: {  	_ =	shalt  }
0x83: {  	_ =	shalt  }
0x84: {  	_ =	shalt  }
0x85: {  	_ =	shalt  }
0x86: {  	_ =	shalt  }
0x87: {  	_ =	shalt  }
.Lfunc_end0:
.L_simem_size_0:
called_computation.1_lowered:
.L_overlay_start_0:
0x88: {  	s2 =	sld [smem:$0x3FD9]  }
0x89: {  	s3 =	sld [smem:$0x3FFE];
	_ =	sdelay $0x1  }
0x8a: {  	s1 =	srdreg.scid  }
0x8b: {  	s0 =	sand.u32 $0x1, s1  }
0x8c: {  	s17 =	sshll.u32 s0, $0xA;
	s2 =	sadd.s32 s3, s2  }
0x8d: {  	s2 =	sadd.s32 s2, s17  }
0x8e: {  	[smem:$0x3FC4] =	sst s2  }
0x8f: {  	_ = 	snop  }
0x90: {  	s2 =	sld [smem:$0x3FC9];
	(tm) =	ssettm $0x1  }
0x91: {  	s18 =	sld [smem:$0x3FFB];
	_ =	sdelay $0x3  }
0x92: {  	_ =	strace s18  }
0x93: {  	s3 =	sld [smem:$0x3FFC];
	_ =	sdelay $0x3  }
0x94: {  	_ =	strace s3  }
0x95: {  	s3 =	sld [smem:$0x3FFD];
	_ =	sdelay $0x3  }
0x96: {  	_ =	strace s3  }
0x97: {  	_ =	strace $0x8FFFFFFF  }
0x98: {  	s19 =	sld [smem:$0x3FDB];
	_ =	sdelay $0x1  }
0x99: {  	s4 =	simm.s32 $_scs_section_size  }
0x9a: {  	s5 =	simm.s32 $_size__tile_overlayer_lowered;
	s6 =	simm.s32 $_tile_overlayer_lowered  }
0x9b: {  	s22 =	simm.s32 $0x1BFF;
	s21 =	sshll.u32 s6, $0x1;
	s3 =	sadd.s32 s4, s19  }
0x9c: {  	s7 =	simm.s32 $0x0;
	s20 =	sshll.u32 s5, $0x1;
	s5 =	sadd.s32 s21, s3  }
0x9d: {  	[timem:s7], [sflag:s22] =	dma.local [hbm:s5], s20  }
0x9e: {  	_ =	swait.ge [sflag:s22], s20  }
0x9f: {  	s4 =	ssub.s32 $0x0, s20;
	[sflag:s22] =	ssyncset.done $0x0  }
0xa0: {  	[sflag:s22] =	ssyncadd.s32 s4;
	_ =	sdelay $0x1  }
0xa1: {  	s23 =	simm.s32 $0x1B8B  }
0xa2: {  	_ =	swait.ge [sflag:s23], $0x1  }
0xa3: {  	[sflag:s23] =	ssyncset.done $0x0  }
0xa4: {  	s25 =	simm.s32 $0x1B8E;
	s24 =	sld [smem:$0x3FFE];
	[sflag:s23] =	ssyncadd.s32 $0xFFFFFFFF  }
0xa5: {  	s26 =	simm.s32 $execute0_lowered;
	[smem:$0x3FD2] =	sst s25  }
0xa6: {  	s5 =	sshll.u32 s26, $0x1;
	_ =	strace $0x80000049;
	[dreg:$0x1] =	wrdreg $0xFFFFFFFF  }
0xa7: {  	s28 =	simm.s32 $_size_execute0_lowered;
	s3 =	sadd.s32 s3, s5;
	[dreg:$0x0] =	wrdreg $0x0  }
0xa8: {  	s5 =	sshll.u32 s28, $0x1;
	[dreg:$0x2] =	wrdreg s3  }
0xa9: {  	[dreg:$0x3] =	wrdreg s5  }
0xaa: {  	[dreg:$0x4] =	wrdreg $0xC0  }
0xab: {  	_ =	task [dreg:s7], $0x5FFFF  }
0xac: {  	[dreg:$0x1] =	wrdreg $0xFFFFFFFF  }
0xad: {  	[dreg:$0x0] =	wrdreg $0x60  }
0xae: {  	[dreg:$0x2] =	wrdreg s2  }
0xaf: {  	[dreg:$0x3] =	wrdreg s24  }
0xb0: {  	[dreg:$0x4] =	wrdreg $0x9  }
0xb1: {  	_ =	task.clear_ibuf [dreg:s7], $0x5FFFF;
	_ =	strace $0x90000049  }
0xb2: {  	s29 =	simm.s32 $0x9;
	_ =	strace $0x8000004B  }
0xb3: {  	_ =	swait.ge [sflag:s29], $0x1  }
0xb4: {  	[sflag:s29] =	ssyncadd.s32 $0xFFFFFFFF  }
0xb5: {  	_ =	strace $0x9000004B  }
0xb6: {  	_ =	sfence  }
0xb7: {  	s30 =	sld [smem:$0x0];
	_ =	sdelay $0x2  }
0xb8: {  	s31 =	sshll.u32 s1, $0xD;
	s1 =	sshrl.u32 s1, $0x2  }
0xb9: {  	s3 =	sand.u32 $0x4000, s31;
	s1 =	sadd.s32 s1, s30  }
0xba: {  	s0 =	sor.u32 s3, s0;
	s1 =	sshll.u32 s1, $0x11  }
0xbb: {  	s0 =	sor.u32 s1, s0  }
0xbc: {  	s0 =	sadd.s32 $0x8F2B, s0  }
0xbd: {  	[sflag:s0] =	ssyncadd.remote.s32 $0x1  }
0xbe: {  	_ =	sfence.sel $0xFFFF  }
0xbf: {  	[dreg:$0x0] =	wrdreg $0xFFFFFFFF;
	(pc) =	sbr.abs _section_cstart, $3  }
0xc0: {  	[dreg:$0x1] =	wrdreg $0xFFFFFFFF  }
0xc1: {  	_ =	task.clear_ibuf [dreg:s7], $0x2FFFF;
	_ =	strace $0x9FFFFFFF  }
0xc2: {  	(tm) =	ssettm $0x7FFFFFFF  }
0xc3: {  	_ =	shalt  }
tec
execute0_lowered:
.L_overlay_start_1:
0x0: {  	(tag) =	ssettag $0x1  }
0x1: {  	s4 =	rddreg [dreg:$0x0]  }
0x2: {  	s5 =	rddreg [dreg:$0x1]  }
0x3: {  	s0 =	rddreg [dreg:$0x2];
	s3 =	srdreg.scid;
	s2 =	simm.s32 $0x0  }
0x4: {  	s1 =	stileid.u32;
	s10 =	simm.s32 $0x80;
	s11 =	simm.s32 $0x6400  }
0x5: {  	s12 =	simm.s32 $0xA400;
	s13 =	simm.s32 $0x100;
	s14 =	simm.s32 $0xE400  }
0x6: {  	s15 =	simm.s32 $0x180;
	s16 =	simm.s32 $0x12400;
	s17 =	simm.s32 $0x1  }
0x7: {  	s18 =	simm.s32 $0x2;
	s19 =	simm.s32 $0x3;
	s20 =	simm.s32 $0x4  }
0x8: {  	s21 =	simm.s32 $0x16400;
	s22 =	simm.s32 $0x0;
	s3 =	sand.u32 $0x1, s3  }
0x9: {  	[smem:$0x7FF] =	sst s2;
	s6 =	sshll.u32 s1, $0x8;
	s7 =	sshll.u32 s3, $0x7  }
.Ltmp0:
0xa: {  	_ =	strace $0x8000004A;
	s31 =	ssub.s32 $0x2, s3;
	(pc) =	sbr.rel .LBB2_1-.Ltmp0, $4  }
0xb: {  	s3 =	sadd.s32 $0xE00, s5;
	s6 =	sor.u32 s7, s6;
	s9 =	sshrl.u32 s31, $0x1  }
0xc: {  	s8 =	sshll.u32 s6, $0x4;
	s7 =	ssub.s32 s31, s9;
	s4 =	sadd.s32 s4, s6  }
0xd: {  	s9 =	simm.s32 $0x5;
	s5 =	sadd.s32 s8, s5;
	s6 =	smax.u32 s7, $0x1  }
0xe: {  	v0 =	vimm.f32 $0.0e+00;
	s7 =	simm.s32 $0x400;
	s8 =	simm.s32 $0x8000;
	s5 =	sadd.s32 $0xF43600, s5  }
.LBB2_14:
0xf: {  	s22 =	sadd.s32 $0x1, s22  }
0x10: {  	p0 =	sne.s32 s22, s6  }
.Ltmp1:
0x11: {  	_ = 	snop;
	(pc) =	sbr.rel @!p0 .LBB2_15-.Ltmp1, $4  }
0x12: {  	[hbm4b:s5+s2] =	stream.linear.scatter [tilespmem:s21], [sflag:$0x5], $0x4000, $0x38;
	[tilespmem:$0x1A400] =	vst v63  }
0x13: {  	_ =	swait.ge [sflag:s9], $0x4000  }
0x14: {  	[sflag:s9] =	ssyncset.done $0x0  }
0x15: {  	[sflag:s9] =	ssyncadd.s32 $0xFFFFC000  }
.LBB2_1:
0x16: {  	[tilespmem:s2], [sflag:$0x5] =	stream.strided.gather [hbm4b:s4+s7], $0x6400, s8, s7, $0x38;
	[tilespmem:$0x1A400] =	vst v63  }
0x17: {  	_ =	swait.ge [sflag:s9], $0x6400  }
0x18: {  	[sflag:s9] =	ssyncset.done $0x0  }
0x19: {  	s24 =	simm.s32 $0x200;
	s23 =	simm.s32 $0x0;
	[sflag:s9] =	ssyncadd.s32 $0xFFFF9C00  }
.LBB2_2:
0x1a: {  	p0 =	sne.s32 s24, $0xFE00;
	[tilespmem:s23+$0x16430] =	vst v0;
	s25 =	smov.u32 s24;
	s24 =	sadd.s32 $0x200, s24  }
.Ltmp2:
0x1b: {  	[tilespmem:s23+$0x16420] =	vst v0;
	(pc) =	sbr.rel @p0 .LBB2_2-.Ltmp2, $3  }
0x1c: {  	[tilespmem:s23+$0x16400] =	vst v0  }
0x1d: {  	[tilespmem:s23+$0x16410] =	vst v0;
	_ =	sdelay $0x1  }
0x1e: {  	s23 =	sshra.s32 s25, $0x2  }
0x1f: {  	[tilespmem:s23+$0x16430] =	vst v0  }
0x20: {  	[tilespmem:s23+$0x16420] =	vst v0  }
0x21: {  	[tilespmem:s23+$0x16400] =	vst v0  }
0x22: {  	[tilespmem:s23+$0x16410] =	vst v0;
	s23 =	simm.s32 $0x0  }
0x23: {  	[tilespmem:s11], [sflag:$0x1] =	stream.indirect.gather [hbm4b:s3+s10], $0x80, s23, s10, $0xb8;
	[tilespmem:$0x1A400] =	vst v63  }
0x24: {  	_ = 	snop  }
0x25: {  	[tilespmem:s12], [sflag:$0x2] =	stream.indirect.gather [hbm4b:s3+s10], $0x80, s10, s10, $0xb8;
	[tilespmem:$0x1A400] =	vst v63  }
0x26: {  	_ = 	snop  }
0x27: {  	[tilespmem:s14], [sflag:$0x3] =	stream.indirect.gather [hbm4b:s3+s10], $0x80, s13, s10, $0xb8;
	[tilespmem:$0x1A400] =	vst v63  }
0x28: {  	_ = 	snop  }
0x29: {  	[tilespmem:s16], [sflag:$0x4] =	stream.indirect.gather [hbm4b:s3+s10], $0x80, s15, s10, $0xb8;
	[tilespmem:$0x1A400] =	vst v63  }
.LBB2_4:
0x2a: {  	_ =	swait.ge [sflag:s17], $0x4000  }
0x2b: {  	[sflag:s17] =	ssyncset.done $0x0  }
0x2c: {  	s26 =	simm.s32 $0x0;
	s24 =	simm.s32 $0x800;
	[sflag:s17] =	ssyncadd.s32 $0xFFFFC000  }
.LBB2_5:
0x2d: {  	p0 =	sne.s32 s24, $0xF800;
	v1 =	vld [tilespmem:s26+$0x65B0]  }
0x2e: {  	v2 =	vld [tilespmem:s26+$0x6400]  }
0x2f: {  	v3 =	vld [tilespmem:s26+$0x6410]  }
0x30: {  	v4 =	vld [tilespmem:s26+$0x6420]  }
0x31: {  	v5 =	vld [tilespmem:s26+$0x6430]  }
0x32: {  	[tilespmem:s26+$0x165B0] =	vst.add.f32.msk $0xffff, v1  }
0x33: {  	v1 =	vld [tilespmem:s26+$0x6480]  }
0x34: {  	v6 =	vld [tilespmem:s26+$0x6490]  }
0x35: {  	v7 =	vld [tilespmem:s26+$0x64A0]  }
0x36: {  	v8 =	vld [tilespmem:s26+$0x64B0]  }
0x37: {  	v9 =	vld [tilespmem:s26+$0x6500]  }
0x38: {  	v10 =	vld [tilespmem:s26+$0x6510]  }
0x39: {  	v11 =	vld [tilespmem:s26+$0x6520]  }
0x3a: {  	v12 =	vld [tilespmem:s26+$0x6530]  }
0x3b: {  	v13 =	vld [tilespmem:s26+$0x6580]  }
0x3c: {  	v14 =	vld [tilespmem:s26+$0x6590]  }
0x3d: {  	v15 =	vld [tilespmem:s26+$0x65A0]  }
0x3e: {  	[tilespmem:s26+$0x16400] =	vst.add.f32.msk $0xffff, v2  }
0x3f: {  	[tilespmem:s26+$0x16410] =	vst.add.f32.msk $0xffff, v3  }
0x40: {  	[tilespmem:s26+$0x16420] =	vst.add.f32.msk $0xffff, v4  }
0x41: {  	[tilespmem:s26+$0x16430] =	vst.add.f32.msk $0xffff, v5  }
0x42: {  	[tilespmem:s26+$0x16480] =	vst.add.f32.msk $0xffff, v1  }
0x43: {  	[tilespmem:s26+$0x16490] =	vst.add.f32.msk $0xffff, v6  }
0x44: {  	[tilespmem:s26+$0x164A0] =	vst.add.f32.msk $0xffff, v7  }
0x45: {  	[tilespmem:s26+$0x164B0] =	vst.add.f32.msk $0xffff, v8  }
0x46: {  	[tilespmem:s26+$0x16500] =	vst.add.f32.msk $0xffff, v9  }
0x47: {  	[tilespmem:s26+$0x16510] =	vst.add.f32.msk $0xffff, v10  }
.Ltmp3:
0x48: {  	[tilespmem:s26+$0x16520] =	vst.add.f32.msk $0xffff, v11;
	(pc) =	sbr.rel @p0 .LBB2_5-.Ltmp3, $4  }
0x49: {  	[tilespmem:s26+$0x16530] =	vst.add.f32.msk $0xffff, v12  }
0x4a: {  	[tilespmem:s26+$0x16580] =	vst.add.f32.msk $0xffff, v13  }
0x4b: {  	[tilespmem:s26+$0x16590] =	vst.add.f32.msk $0xffff, v14  }
0x4c: {  	[tilespmem:s26+$0x165A0] =	vst.add.f32.msk $0xffff, v15;
	s26 =	sshra.s32 s24, $0x2;
	s24 =	sadd.s32 $0x800, s24  }
0x4d: {  	v1 =	vld [tilespmem:s26+$0x65B0]  }
0x4e: {  	v2 =	vld [tilespmem:s26+$0x6400]  }
0x4f: {  	v3 =	vld [tilespmem:s26+$0x6410]  }
0x50: {  	v4 =	vld [tilespmem:s26+$0x6420]  }
0x51: {  	v5 =	vld [tilespmem:s26+$0x6430]  }
0x52: {  	v6 =	vld [tilespmem:s26+$0x6490]  }
0x53: {  	v7 =	vld [tilespmem:s26+$0x64A0]  }
0x54: {  	v8 =	vld [tilespmem:s26+$0x64B0]  }
0x55: {  	v9 =	vld [tilespmem:s26+$0x6500]  }
0x56: {  	v10 =	vld [tilespmem:s26+$0x6510]  }
0x57: {  	v11 =	vld [tilespmem:s26+$0x6520]  }
0x58: {  	v12 =	vld [tilespmem:s26+$0x6530]  }
0x59: {  	v13 =	vld [tilespmem:s26+$0x6580]  }
0x5a: {  	v14 =	vld [tilespmem:s26+$0x6590]  }
0x5b: {  	v15 =	vld [tilespmem:s26+$0x65A0]  }
0x5c: {  	[tilespmem:s26+$0x165B0] =	vst.add.f32.msk $0xffff, v1  }
0x5d: {  	v1 =	vld [tilespmem:s26+$0x6480]  }
0x5e: {  	[tilespmem:s26+$0x16400] =	vst.add.f32.msk $0xffff, v2  }
0x5f: {  	[tilespmem:s26+$0x16410] =	vst.add.f32.msk $0xffff, v3  }
0x60: {  	[tilespmem:s26+$0x16420] =	vst.add.f32.msk $0xffff, v4  }
0x61: {  	[tilespmem:s26+$0x16430] =	vst.add.f32.msk $0xffff, v5  }
0x62: {  	[tilespmem:s26+$0x16490] =	vst.add.f32.msk $0xffff, v6  }
0x63: {  	[tilespmem:s26+$0x164A0] =	vst.add.f32.msk $0xffff, v7  }
0x64: {  	[tilespmem:s26+$0x164B0] =	vst.add.f32.msk $0xffff, v8  }
0x65: {  	[tilespmem:s26+$0x16500] =	vst.add.f32.msk $0xffff, v9  }
0x66: {  	[tilespmem:s26+$0x16510] =	vst.add.f32.msk $0xffff, v10  }
0x67: {  	[tilespmem:s26+$0x16520] =	vst.add.f32.msk $0xffff, v11  }
0x68: {  	[tilespmem:s26+$0x16530] =	vst.add.f32.msk $0xffff, v12  }
0x69: {  	[tilespmem:s26+$0x16580] =	vst.add.f32.msk $0xffff, v13  }
0x6a: {  	s24 =	sshll.u32 s23, $0xB;
	p0 =	seq.s32 s23, $0x31;
	[tilespmem:s26+$0x16590] =	vst.add.f32.msk $0xffff, v14  }
0x6b: {  	s25 =	sshrl.u32 @!p0 s24, $0x2;
	[tilespmem:s26+$0x165A0] =	vst.add.f32.msk $0xffff, v15  }
0x6c: {  	s28 =	simm.s32 @!p0 $0x80;
	s29 =	simm.s32 @!p0 $0x6400;
	[tilespmem:s26+$0x16480] =	vst.add.f32.msk $0xffff, v1;
	s26 =	sadd.s32 @!p0 $0x200, s25  }
0x6d: {  	[tilespmem:s29], [sflag:$0x1] =	stream.indirect.gather @!p0 [hbm4b:s3+s28], $0x80, s26, s28, $0xb8;
	[tilespmem:$0x1A400] =	vst v63  }
0x6e: {  	_ =	swait.ge [sflag:s18], $0x4000  }
0x6f: {  	[sflag:s18] =	ssyncset.done $0x0  }
0x70: {  	s26 =	simm.s32 $0x0;
	s28 =	simm.s32 $0x800;
	[sflag:s18] =	ssyncadd.s32 $0xFFFFC000  }
.LBB2_7:
0x71: {  	p1 =	sne.s32 s28, $0xF800;
	v1 =	vld [tilespmem:s26+$0xA5B0]  }
0x72: {  	v2 =	vld [tilespmem:s26+$0xA400]  }
0x73: {  	v3 =	vld [tilespmem:s26+$0xA410]  }
0x74: {  	v4 =	vld [tilespmem:s26+$0xA420]  }
0x75: {  	v5 =	vld [tilespmem:s26+$0xA430]  }
0x76: {  	[tilespmem:s26+$0x165B0] =	vst.add.f32.msk $0xffff, v1  }
0x77: {  	v1 =	vld [tilespmem:s26+$0xA480]  }
0x78: {  	v6 =	vld [tilespmem:s26+$0xA490]  }
0x79: {  	v7 =	vld [tilespmem:s26+$0xA4A0]  }
0x7a: {  	v8 =	vld [tilespmem:s26+$0xA4B0]  }
0x7b: {  	v9 =	vld [tilespmem:s26+$0xA500]  }
0x7c: {  	v10 =	vld [tilespmem:s26+$0xA510]  }
0x7d: {  	v11 =	vld [tilespmem:s26+$0xA520]  }
0x7e: {  	v12 =	vld [tilespmem:s26+$0xA530]  }
0x7f: {  	v13 =	vld [tilespmem:s26+$0xA580]  }
0x80: {  	v14 =	vld [tilespmem:s26+$0xA590]  }
0x81: {  	v15 =	vld [tilespmem:s26+$0xA5A0]  }
0x82: {  	[tilespmem:s26+$0x16400] =	vst.add.f32.msk $0xffff, v2  }
0x83: {  	[tilespmem:s26+$0x16410] =	vst.add.f32.msk $0xffff, v3  }
0x84: {  	[tilespmem:s26+$0x16420] =	vst.add.f32.msk $0xffff, v4  }
0x85: {  	[tilespmem:s26+$0x16430] =	vst.add.f32.msk $0xffff, v5  }
0x86: {  	[tilespmem:s26+$0x16480] =	vst.add.f32.msk $0xffff, v1  }
0x87: {  	[tilespmem:s26+$0x16490] =	vst.add.f32.msk $0xffff, v6  }
0x88: {  	[tilespmem:s26+$0x164A0] =	vst.add.f32.msk $0xffff, v7  }
0x89: {  	[tilespmem:s26+$0x164B0] =	vst.add.f32.msk $0xffff, v8  }
0x8a: {  	[tilespmem:s26+$0x16500] =	vst.add.f32.msk $0xffff, v9  }
0x8b: {  	[tilespmem:s26+$0x16510] =	vst.add.f32.msk $0xffff, v10  }
.Ltmp4:
0x8c: {  	[tilespmem:s26+$0x16520] =	vst.add.f32.msk $0xffff, v11;
	(pc) =	sbr.rel @p1 .LBB2_7-.Ltmp4, $4  }
0x8d: {  	[tilespmem:s26+$0x16530] =	vst.add.f32.msk $0xffff, v12  }
0x8e: {  	[tilespmem:s26+$0x16580] =	vst.add.f32.msk $0xffff, v13  }
0x8f: {  	[tilespmem:s26+$0x16590] =	vst.add.f32.msk $0xffff, v14  }
0x90: {  	[tilespmem:s26+$0x165A0] =	vst.add.f32.msk $0xffff, v15;
	s26 =	sshra.s32 s28, $0x2;
	s28 =	sadd.s32 $0x800, s28  }
0x91: {  	v1 =	vld [tilespmem:s26+$0xA5B0]  }
0x92: {  	v2 =	vld [tilespmem:s26+$0xA400]  }
0x93: {  	v3 =	vld [tilespmem:s26+$0xA410]  }
0x94: {  	v4 =	vld [tilespmem:s26+$0xA420]  }
0x95: {  	v5 =	vld [tilespmem:s26+$0xA430]  }
0x96: {  	v6 =	vld [tilespmem:s26+$0xA490]  }
0x97: {  	v7 =	vld [tilespmem:s26+$0xA4A0]  }
0x98: {  	v8 =	vld [tilespmem:s26+$0xA4B0]  }
0x99: {  	v9 =	vld [tilespmem:s26+$0xA500]  }
0x9a: {  	v10 =	vld [tilespmem:s26+$0xA510]  }
0x9b: {  	v11 =	vld [tilespmem:s26+$0xA520]  }
0x9c: {  	v12 =	vld [tilespmem:s26+$0xA530]  }
0x9d: {  	v13 =	vld [tilespmem:s26+$0xA580]  }
0x9e: {  	v14 =	vld [tilespmem:s26+$0xA590]  }
0x9f: {  	v15 =	vld [tilespmem:s26+$0xA5A0]  }
0xa0: {  	[tilespmem:s26+$0x165B0] =	vst.add.f32.msk $0xffff, v1  }
0xa1: {  	v1 =	vld [tilespmem:s26+$0xA480]  }
0xa2: {  	[tilespmem:s26+$0x16400] =	vst.add.f32.msk $0xffff, v2  }
0xa3: {  	[tilespmem:s26+$0x16410] =	vst.add.f32.msk $0xffff, v3  }
0xa4: {  	[tilespmem:s26+$0x16420] =	vst.add.f32.msk $0xffff, v4  }
0xa5: {  	[tilespmem:s26+$0x16430] =	vst.add.f32.msk $0xffff, v5  }
0xa6: {  	[tilespmem:s26+$0x16490] =	vst.add.f32.msk $0xffff, v6  }
0xa7: {  	[tilespmem:s26+$0x164A0] =	vst.add.f32.msk $0xffff, v7  }
0xa8: {  	[tilespmem:s26+$0x164B0] =	vst.add.f32.msk $0xffff, v8  }
0xa9: {  	[tilespmem:s26+$0x16500] =	vst.add.f32.msk $0xffff, v9  }
0xaa: {  	[tilespmem:s26+$0x16510] =	vst.add.f32.msk $0xffff, v10  }
0xab: {  	[tilespmem:s26+$0x16520] =	vst.add.f32.msk $0xffff, v11  }
0xac: {  	[tilespmem:s26+$0x16530] =	vst.add.f32.msk $0xffff, v12  }
0xad: {  	[tilespmem:s26+$0x16580] =	vst.add.f32.msk $0xffff, v13  }
0xae: {  	[tilespmem:s26+$0x16590] =	vst.add.f32.msk $0xffff, v14  }
0xaf: {  	[tilespmem:s26+$0x165A0] =	vst.add.f32.msk $0xffff, v15  }
0xb0: {  	s28 =	simm.s32 @!p0 $0x80;
	s29 =	simm.s32 @!p0 $0xA400;
	[tilespmem:s26+$0x16480] =	vst.add.f32.msk $0xffff, v1;
	s26 =	sadd.s32 @!p0 $0x280, s25  }
0xb1: {  	[tilespmem:s29], [sflag:$0x2] =	stream.indirect.gather @!p0 [hbm4b:s3+s28], $0x80, s26, s28, $0xb8;
	[tilespmem:$0x1A400] =	vst v63  }
0xb2: {  	_ =	swait.ge [sflag:s19], $0x4000  }
0xb3: {  	[sflag:s19] =	ssyncset.done $0x0  }
0xb4: {  	s26 =	simm.s32 $0x0;
	s28 =	simm.s32 $0x800;
	[sflag:s19] =	ssyncadd.s32 $0xFFFFC000  }
.LBB2_9:
0xb5: {  	p1 =	sne.s32 s28, $0xF800;
	v1 =	vld [tilespmem:s26+$0xE5B0]  }
0xb6: {  	v2 =	vld [tilespmem:s26+$0xE400]  }
0xb7: {  	v3 =	vld [tilespmem:s26+$0xE410]  }
0xb8: {  	v4 =	vld [tilespmem:s26+$0xE420]  }
0xb9: {  	v5 =	vld [tilespmem:s26+$0xE430]  }
0xba: {  	[tilespmem:s26+$0x165B0] =	vst.add.f32.msk $0xffff, v1  }
0xbb: {  	v1 =	vld [tilespmem:s26+$0xE480]  }
0xbc: {  	v6 =	vld [tilespmem:s26+$0xE490]  }
0xbd: {  	v7 =	vld [tilespmem:s26+$0xE4A0]  }
0xbe: {  	v8 =	vld [tilespmem:s26+$0xE4B0]  }
0xbf: {  	v9 =	vld [tilespmem:s26+$0xE500]  }
0xc0: {  	v10 =	vld [tilespmem:s26+$0xE510]  }
0xc1: {  	v11 =	vld [tilespmem:s26+$0xE520]  }
0xc2: {  	v12 =	vld [tilespmem:s26+$0xE530]  }
0xc3: {  	v13 =	vld [tilespmem:s26+$0xE580]  }
0xc4: {  	v14 =	vld [tilespmem:s26+$0xE590]  }
0xc5: {  	v15 =	vld [tilespmem:s26+$0xE5A0]  }
0xc6: {  	[tilespmem:s26+$0x16400] =	vst.add.f32.msk $0xffff, v2  }
0xc7: {  	[tilespmem:s26+$0x16410] =	vst.add.f32.msk $0xffff, v3  }
0xc8: {  	[tilespmem:s26+$0x16420] =	vst.add.f32.msk $0xffff, v4  }
0xc9: {  	[tilespmem:s26+$0x16430] =	vst.add.f32.msk $0xffff, v5  }
0xca: {  	[tilespmem:s26+$0x16480] =	vst.add.f32.msk $0xffff, v1  }
0xcb: {  	[tilespmem:s26+$0x16490] =	vst.add.f32.msk $0xffff, v6  }
0xcc: {  	[tilespmem:s26+$0x164A0] =	vst.add.f32.msk $0xffff, v7  }
0xcd: {  	[tilespmem:s26+$0x164B0] =	vst.add.f32.msk $0xffff, v8  }
0xce: {  	[tilespmem:s26+$0x16500] =	vst.add.f32.msk $0xffff, v9  }
0xcf: {  	[tilespmem:s26+$0x16510] =	vst.add.f32.msk $0xffff, v10  }
.Ltmp5:
0xd0: {  	[tilespmem:s26+$0x16520] =	vst.add.f32.msk $0xffff, v11;
	(pc) =	sbr.rel @p1 .LBB2_9-.Ltmp5, $4  }
0xd1: {  	[tilespmem:s26+$0x16530] =	vst.add.f32.msk $0xffff, v12  }
0xd2: {  	[tilespmem:s26+$0x16580] =	vst.add.f32.msk $0xffff, v13  }
0xd3: {  	[tilespmem:s26+$0x16590] =	vst.add.f32.msk $0xffff, v14  }
0xd4: {  	[tilespmem:s26+$0x165A0] =	vst.add.f32.msk $0xffff, v15;
	s26 =	sshra.s32 s28, $0x2;
	s28 =	sadd.s32 $0x800, s28  }
0xd5: {  	v1 =	vld [tilespmem:s26+$0xE5B0]  }
0xd6: {  	v2 =	vld [tilespmem:s26+$0xE400]  }
0xd7: {  	v3 =	vld [tilespmem:s26+$0xE410]  }
0xd8: {  	v4 =	vld [tilespmem:s26+$0xE420]  }
0xd9: {  	v5 =	vld [tilespmem:s26+$0xE430]  }
0xda: {  	v6 =	vld [tilespmem:s26+$0xE490]  }
0xdb: {  	v7 =	vld [tilespmem:s26+$0xE4A0]  }
0xdc: {  	v8 =	vld [tilespmem:s26+$0xE4B0]  }
0xdd: {  	v9 =	vld [tilespmem:s26+$0xE500]  }
0xde: {  	v10 =	vld [tilespmem:s26+$0xE510]  }
0xdf: {  	v11 =	vld [tilespmem:s26+$0xE520]  }
0xe0: {  	v12 =	vld [tilespmem:s26+$0xE530]  }
0xe1: {  	v13 =	vld [tilespmem:s26+$0xE580]  }
0xe2: {  	v14 =	vld [tilespmem:s26+$0xE590]  }
0xe3: {  	v15 =	vld [tilespmem:s26+$0xE5A0]  }
0xe4: {  	[tilespmem:s26+$0x165B0] =	vst.add.f32.msk $0xffff, v1  }
0xe5: {  	v1 =	vld [tilespmem:s26+$0xE480]  }
0xe6: {  	[tilespmem:s26+$0x16400] =	vst.add.f32.msk $0xffff, v2  }
0xe7: {  	[tilespmem:s26+$0x16410] =	vst.add.f32.msk $0xffff, v3  }
0xe8: {  	[tilespmem:s26+$0x16420] =	vst.add.f32.msk $0xffff, v4  }
0xe9: {  	[tilespmem:s26+$0x16430] =	vst.add.f32.msk $0xffff, v5  }
0xea: {  	[tilespmem:s26+$0x16490] =	vst.add.f32.msk $0xffff, v6  }
0xeb: {  	[tilespmem:s26+$0x164A0] =	vst.add.f32.msk $0xffff, v7  }
0xec: {  	[tilespmem:s26+$0x164B0] =	vst.add.f32.msk $0xffff, v8  }
0xed: {  	[tilespmem:s26+$0x16500] =	vst.add.f32.msk $0xffff, v9  }
0xee: {  	[tilespmem:s26+$0x16510] =	vst.add.f32.msk $0xffff, v10  }
0xef: {  	[tilespmem:s26+$0x16520] =	vst.add.f32.msk $0xffff, v11  }
0xf0: {  	[tilespmem:s26+$0x16530] =	vst.add.f32.msk $0xffff, v12  }
0xf1: {  	[tilespmem:s26+$0x16580] =	vst.add.f32.msk $0xffff, v13  }
0xf2: {  	[tilespmem:s26+$0x16590] =	vst.add.f32.msk $0xffff, v14  }
0xf3: {  	[tilespmem:s26+$0x165A0] =	vst.add.f32.msk $0xffff, v15  }
0xf4: {  	s25 =	sadd.s32 @!p0 $0x300, s25;
	s28 =	simm.s32 @!p0 $0xE400;
	[tilespmem:s26+$0x16480] =	vst.add.f32.msk $0xffff, v1;
	s26 =	simm.s32 @!p0 $0x80  }
0xf5: {  	[tilespmem:s28], [sflag:$0x3] =	stream.indirect.gather @!p0 [hbm4b:s3+s26], $0x80, s25, s26, $0xb8;
	[tilespmem:$0x1A400] =	vst v63  }
0xf6: {  	_ =	swait.ge [sflag:s20], $0x4000  }
0xf7: {  	[sflag:s20] =	ssyncset.done $0x0  }
0xf8: {  	s25 =	simm.s32 $0x0;
	s26 =	simm.s32 $0x800;
	[sflag:s20] =	ssyncadd.s32 $0xFFFFC000  }
.LBB2_11:
0xf9: {  	p1 =	sne.s32 s26, $0xF800;
	v1 =	vld [tilespmem:s25+$0x125B0]  }
0xfa: {  	v2 =	vld [tilespmem:s25+$0x12400]  }
0xfb: {  	v3 =	vld [tilespmem:s25+$0x12410]  }
0xfc: {  	v4 =	vld [tilespmem:s25+$0x12420]  }
0xfd: {  	v5 =	vld [tilespmem:s25+$0x12430]  }
0xfe: {  	[tilespmem:s25+$0x165B0] =	vst.add.f32.msk $0xffff, v1  }
0xff: {  	v1 =	vld [tilespmem:s25+$0x12480]  }
0x100: {  	v6 =	vld [tilespmem:s25+$0x12490]  }
0x101: {  	v7 =	vld [tilespmem:s25+$0x124A0]  }
0x102: {  	v8 =	vld [tilespmem:s25+$0x124B0]  }
0x103: {  	v9 =	vld [tilespmem:s25+$0x12500]  }
0x104: {  	v10 =	vld [tilespmem:s25+$0x12510]  }
0x105: {  	v11 =	vld [tilespmem:s25+$0x12520]  }
0x106: {  	v12 =	vld [tilespmem:s25+$0x12530]  }
0x107: {  	v13 =	vld [tilespmem:s25+$0x12580]  }
0x108: {  	v14 =	vld [tilespmem:s25+$0x12590]  }
0x109: {  	v15 =	vld [tilespmem:s25+$0x125A0]  }
0x10a: {  	[tilespmem:s25+$0x16400] =	vst.add.f32.msk $0xffff, v2  }
0x10b: {  	[tilespmem:s25+$0x16410] =	vst.add.f32.msk $0xffff, v3  }
0x10c: {  	[tilespmem:s25+$0x16420] =	vst.add.f32.msk $0xffff, v4  }
0x10d: {  	[tilespmem:s25+$0x16430] =	vst.add.f32.msk $0xffff, v5  }
0x10e: {  	[tilespmem:s25+$0x16480] =	vst.add.f32.msk $0xffff, v1  }
0x10f: {  	[tilespmem:s25+$0x16490] =	vst.add.f32.msk $0xffff, v6  }
0x110: {  	[tilespmem:s25+$0x164A0] =	vst.add.f32.msk $0xffff, v7  }
0x111: {  	[tilespmem:s25+$0x164B0] =	vst.add.f32.msk $0xffff, v8  }
0x112: {  	[tilespmem:s25+$0x16500] =	vst.add.f32.msk $0xffff, v9  }
0x113: {  	[tilespmem:s25+$0x16510] =	vst.add.f32.msk $0xffff, v10  }
.Ltmp6:
0x114: {  	[tilespmem:s25+$0x16520] =	vst.add.f32.msk $0xffff, v11;
	(pc) =	sbr.rel @p1 .LBB2_11-.Ltmp6, $4  }
0x115: {  	[tilespmem:s25+$0x16530] =	vst.add.f32.msk $0xffff, v12  }
0x116: {  	[tilespmem:s25+$0x16580] =	vst.add.f32.msk $0xffff, v13  }
0x117: {  	[tilespmem:s25+$0x16590] =	vst.add.f32.msk $0xffff, v14  }
0x118: {  	[tilespmem:s25+$0x165A0] =	vst.add.f32.msk $0xffff, v15;
	s25 =	sshra.s32 s26, $0x2;
	s26 =	sadd.s32 $0x800, s26  }
0x119: {  	v1 =	vld [tilespmem:s25+$0x125B0]  }
0x11a: {  	v2 =	vld [tilespmem:s25+$0x12400]  }
0x11b: {  	v3 =	vld [tilespmem:s25+$0x12410]  }
0x11c: {  	v4 =	vld [tilespmem:s25+$0x12420]  }
0x11d: {  	v5 =	vld [tilespmem:s25+$0x12430]  }
0x11e: {  	v6 =	vld [tilespmem:s25+$0x12490]  }
0x11f: {  	v7 =	vld [tilespmem:s25+$0x124A0]  }
0x120: {  	v8 =	vld [tilespmem:s25+$0x124B0]  }
0x121: {  	v9 =	vld [tilespmem:s25+$0x12500]  }
0x122: {  	v10 =	vld [tilespmem:s25+$0x12510]  }
0x123: {  	v11 =	vld [tilespmem:s25+$0x12520]  }
0x124: {  	v12 =	vld [tilespmem:s25+$0x12530]  }
0x125: {  	v13 =	vld [tilespmem:s25+$0x12580]  }
0x126: {  	v14 =	vld [tilespmem:s25+$0x12590]  }
0x127: {  	v15 =	vld [tilespmem:s25+$0x125A0]  }
0x128: {  	[tilespmem:s25+$0x165B0] =	vst.add.f32.msk $0xffff, v1  }
0x129: {  	v1 =	vld [tilespmem:s25+$0x12480]  }
0x12a: {  	[tilespmem:s25+$0x16400] =	vst.add.f32.msk $0xffff, v2  }
0x12b: {  	[tilespmem:s25+$0x16410] =	vst.add.f32.msk $0xffff, v3  }
0x12c: {  	[tilespmem:s25+$0x16420] =	vst.add.f32.msk $0xffff, v4  }
0x12d: {  	[tilespmem:s25+$0x16430] =	vst.add.f32.msk $0xffff, v5  }
0x12e: {  	[tilespmem:s25+$0x16490] =	vst.add.f32.msk $0xffff, v6  }
0x12f: {  	[tilespmem:s25+$0x164A0] =	vst.add.f32.msk $0xffff, v7  }
0x130: {  	[tilespmem:s25+$0x164B0] =	vst.add.f32.msk $0xffff, v8  }
0x131: {  	[tilespmem:s25+$0x16500] =	vst.add.f32.msk $0xffff, v9  }
0x132: {  	[tilespmem:s25+$0x16510] =	vst.add.f32.msk $0xffff, v10  }
0x133: {  	[tilespmem:s25+$0x16520] =	vst.add.f32.msk $0xffff, v11  }
.Ltmp7:
0x134: {  	[tilespmem:s25+$0x16530] =	vst.add.f32.msk $0xffff, v12;
	(pc) =	sbr.rel @p0 .LBB2_14-.Ltmp7, $4  }
0x135: {  	[tilespmem:s25+$0x16580] =	vst.add.f32.msk $0xffff, v13  }
0x136: {  	[tilespmem:s25+$0x16590] =	vst.add.f32.msk $0xffff, v14  }
0x137: {  	[tilespmem:s25+$0x165A0] =	vst.add.f32.msk $0xffff, v15  }
0x138: {  	[tilespmem:s25+$0x16480] =	vst.add.f32.msk $0xffff, v1  }
.Ltmp8:
0x139: {  	(pc) =	sbr.rel .LBB2_4-.Ltmp8, $4  }
0x13a: {  	_ = 	snop  }
0x13b: {  	s24 =	sshrl.u32 s24, $0x2  }
0x13c: {  	s23 =	sadd.s32 $0x1, s23;
	s24 =	sadd.s32 $0x380, s24  }
0x13d: {  	[tilespmem:s16], [sflag:$0x4] =	stream.indirect.gather [hbm4b:s3+s10], $0x80, s24, s10, $0xb8;
	[tilespmem:$0x1A400] =	vst v63  }
.LBB2_15:
0x13e: {  	_ =	sfence.sel $0x180000  }
0x13f: {  	[bflag:$0x0] =	sbarrier.arrive $0xFFFF  }
0x140: {  	p0 =	sne.s32 s1, $0x0;
	_ =	strace $0x9000004A  }
0x141: {  	s0 =	sadd.s32 @!p0 $0x100000, s0;
	[bflag:$0x2] =	sbarrier.arrive $0xFFFF  }
0x142: {  	[sflag:s0] =	ssyncadd.tile.s32 @!p0 $0x1;
	_ =	shalt  }
.Lfunc_end2:
_tile_overlayer_lowered:
.L_overlay_start_2:
0x143: {  	(tag) =	ssettag $0x2  }
0x144: {  	s0 =	rddreg [dreg:$0x0];
	s2 =	stileid.u32  }
0x145: {  	s1 =	rddreg [dreg:$0x1];
	p0 =	sne.s32 s2, $0x0  }
0x146: {  	s3 =	rddreg [dreg:$0x2];
	[bflag:$0x3] =	sbarrier.arrive $0xFFFF;
	s2 =	simm.s32 @!p0 $0x1C05  }
0x147: {  	[timem:s3], [sflag:s2] =	dma.local @!p0 [hbm:s0], s1  }
0x148: {  	s0 =	simm.s32 @!p0 $0x5  }
0x149: {  	_ =	swait.ge @!p0 [sflag:s0], s1  }
0x14a: {  	s1 =	ssub.s32 @!p0 $0x0, s1;
	[sflag:s0] =	ssyncset.done @!p0 $0x0  }
0x14b: {  	[sflag:s0] =	ssyncadd.s32 @!p0 s1  }
0x14c: {  	[bflag:$0x3] =	sbarrier.arrive $0xFFFF  }
0x14d: {  	_ =	shalt  }

</sc_bundles>
